<compile_context>
chip_gen: v7x
topology: tpu7x:2x2x1
jax: 0.10.2.dev20260603
libtpu: 0.0.44.dev20260713+nightly
codegen_flags: <defaults>
</compile_context>

<pallas_src>
import functools

import jax
import jax.numpy as jnp
from jax import lax
from jax.experimental import pallas as pl
from jax.experimental.pallas import tpu as pltpu
from jax.experimental.pallas import tpu_sc as plsc

_NC = 2
_NS = 16
_NW = _NC * _NS


@functools.cache
def _make_kernel(nb, seq, emb):
    s_per_w = seq // _NW
    mesh = plsc.VectorSubcoreMesh(core_axis_name="c", subcore_axis_name="s")

    @functools.partial(
        pl.kernel,
        out_type=jax.ShapeDtypeStruct((nb, seq, emb), jnp.float32),
        mesh=mesh,
        scratch_types=[
            pltpu.VMEM((nb, s_per_w), jnp.int32),
            pltpu.VMEM((s_per_w, emb), jnp.float32),
            [pltpu.VMEM((s_per_w, emb), jnp.float32) for _ in range(nb)],
            pltpu.SemaphoreType.DMA,
            pltpu.SemaphoreType.DMA,
            pltpu.SemaphoreType.DMA,
        ],
    )
    def tok_pos_kernel(tok_hbm, pos_hbm, idx_hbm, out_hbm, idx_v, pos_v, toks, psem, gsem, osem):
        wid = lax.axis_index("s") * _NC + lax.axis_index("c")
        s_base = wid * s_per_w

        pos_d = pltpu.async_copy(pos_hbm.at[pl.ds(s_base, s_per_w)], pos_v, psem)
        pltpu.sync_copy(idx_hbm.at[:, pl.ds(s_base, s_per_w)], idx_v)
        gathers = [
            pltpu.async_copy(tok_hbm.at[idx_v.at[b]], toks[b], gsem)
            for b in range(nb)
        ]
        pos_d.wait()

        writes = []
        for b in range(nb):
            gathers[b].wait()

            def body(r, carry):
                for u in range(emb // 16):
                    sl = pl.ds(u * 16, 16)
                    plsc.addupdate(toks[b].at[r, sl], pos_v[r, sl])
                return carry

            lax.fori_loop(0, s_per_w, body, 0)
            writes.append(
                pltpu.async_copy(toks[b], out_hbm.at[b, pl.ds(s_base, s_per_w)], osem)
            )
        for w in writes:
            w.wait()

    return tok_pos_kernel


@jax.jit
def kernel(in_idx, token_table, pos_table):
    nb, seq = in_idx.shape
    emb = token_table.shape[1]
    out = _make_kernel(nb, seq, emb)(
        token_table, pos_table, in_idx.astype(jnp.int32)
    )
    return out

# --- scband reference (transcript-rebuilt; emitter-appended) ---
"""Pipeline reference for scband-token-postion-embedding-87892210745807 (READ-ONLY COPY).

The authoritative reference and input builder live on the scoring server;
editing this copy changes nothing except your own understanding.
"""

import jax, jax.numpy as jnp
import numpy as np

VOCAB = 100000
EMB = 128
CTX = 4096
B, S = 4, 4096

def setup_inputs(seed: int = 0) -> dict:
    key = jax.random.key(seed)
    k1, k2, k3 = jax.random.split(key, 3)
    in_idx = jax.random.randint(k1, (B, S), 0, VOCAB, dtype=jnp.int64 if jax.config.jax_enable_x64 else jnp.int32)
    token_table = jax.random.normal(k2, (VOCAB, EMB), dtype=jnp.float32) * 0.02
    pos_table = jax.random.normal(k3, (CTX, EMB), dtype=jnp.float32) * 0.02
    return {"in_idx": in_idx, "token_table": token_table, "pos_table": pos_table}

def reference(in_idx, token_table, pos_table):
    seq_length = in_idx.shape[1]
    positions = jnp.arange(seq_length)[None, :]
    token_embeddings = jnp.take(token_table, in_idx, axis=0)
    position_embeddings = jnp.take(pos_table, positions, axis=0)
    return token_embeddings + position_embeddings

if __name__ == "__main__":
    import jax
    _d = setup_inputs()
    print(jax.jit(kernel)(*tuple(_d.values())))

</pallas_src>

<mosaic_0001>
#map = affine_map<(d0, d1) -> (0, 0)>
#map1 = affine_map<(d0, d1) -> (0, 0, 0)>
module attributes {stable_mosaic.version = 14 : i64} {
  func.func @tok_pos_kernel(%arg0: i32, %arg1: i32, %arg2: memref<100000x128xf32, #tpu.memory_space<hbm>>, %arg3: memref<4096x128xf32, #tpu.memory_space<hbm>>, %arg4: memref<4x4096xi32, #tpu.memory_space<hbm>>, %arg5: memref<4x4096x128xf32, #tpu.memory_space<hbm>>, %arg6: memref<4x128xi32, #tpu.memory_space<vmem>>, %arg7: memref<128x128xf32, #tpu.memory_space<vmem>>, %arg8: memref<128x128xf32, #tpu.memory_space<vmem>>, %arg9: memref<128x128xf32, #tpu.memory_space<vmem>>, %arg10: memref<128x128xf32, #tpu.memory_space<vmem>>, %arg11: memref<128x128xf32, #tpu.memory_space<vmem>>, %arg12: memref<!tpu.dma_semaphore, #tpu.memory_space<semaphore_mem>>, %arg13: memref<!tpu.dma_semaphore, #tpu.memory_space<semaphore_mem>>, %arg14: memref<!tpu.dma_semaphore, #tpu.memory_space<semaphore_mem>>) attributes {dimension_semantics = [#tpu.dimension_semantics<core_parallel>, #tpu.dimension_semantics<subcore_parallel>], iteration_bounds = array<i64: 2, 16>, scalar_prefetch = 0 : i64, scratch_operands = 9 : i64, tpu.core_type = #tpu.core_type<sc_vector_subcore>, window_params = [{transform_indices = #map}, {transform_indices = #map}, {transform_indices = #map}, {transform_indices = #map1}]} {
    %mul3A = arith.constant 2 : i32
    %mul3A_0 = arith.muli %arg1, %mul3A : i32
    %add3A = arith.addi %mul3A_0, %arg0 : i32
    %mul3A_1 = arith.constant 128 : i32
    %mul3A_2 = arith.muli %add3A, %mul3A_1 : i32
    %dma_start3A = arith.constant 0 : i32
    %dma_start3A_3 = tpu.memref_slice %arg3[%mul3A_2, %dma_start3A] : memref<4096x128xf32, #tpu.memory_space<hbm>> -> memref<128x128xf32, #tpu.memory_space<hbm>>
    %dma_start3A_4 = arith.constant 0 : i32
    %dma_start3A_5 = tpu.memref_slice %arg3[%mul3A_2, %dma_start3A_4] : memref<4096x128xf32, #tpu.memory_space<hbm>> -> memref<128x128xf32, #tpu.memory_space<hbm>>
    tpu.enqueue_dma source(%dma_start3A_5 : memref<128x128xf32, #tpu.memory_space<hbm>>) target(%arg7 : memref<128x128xf32, #tpu.memory_space<vmem>>) target_semaphore(%arg12 : memref<!tpu.dma_semaphore, #tpu.memory_space<semaphore_mem>>)
    "tpu.region"() ({
      %run_scoped3A = tpu.sem_alloc : memref<!tpu.dma_semaphore, #tpu.memory_space<semaphore_mem>>
      %dma_start3A_144 = arith.constant 0 : i32
      %dma_start3A_145 = tpu.memref_slice %arg4[%dma_start3A_144, %mul3A_2] : memref<4x4096xi32, #tpu.memory_space<hbm>> -> memref<4x128xi32, #tpu.memory_space<hbm>>
      %dma_start3A_146 = arith.constant 0 : i32
      %dma_start3A_147 = tpu.memref_slice %arg4[%dma_start3A_146, %mul3A_2] : memref<4x4096xi32, #tpu.memory_space<hbm>> -> memref<4x128xi32, #tpu.memory_space<hbm>>
      tpu.enqueue_dma source(%dma_start3A_147 : memref<4x128xi32, #tpu.memory_space<hbm>>) target(%arg6 : memref<4x128xi32, #tpu.memory_space<vmem>>) target_semaphore(%run_scoped3A : memref<!tpu.dma_semaphore, #tpu.memory_space<semaphore_mem>>)
      %dma_wait3A_148 = arith.constant 0 : i32
      %dma_wait3A_149 = tpu.memref_slice %arg4[%dma_wait3A_148, %mul3A_2] : memref<4x4096xi32, #tpu.memory_space<hbm>> -> memref<4x128xi32, #tpu.memory_space<hbm>>
      %dma_wait3A_150 = arith.constant 0 : i32
      %dma_wait3A_151 = tpu.memref_slice %arg4[%dma_wait3A_150, %mul3A_2] : memref<4x4096xi32, #tpu.memory_space<hbm>> -> memref<4x128xi32, #tpu.memory_space<hbm>>
      tpu.wait_dma2 semaphore(%run_scoped3A : memref<!tpu.dma_semaphore, #tpu.memory_space<semaphore_mem>>) src(%dma_wait3A_151 : memref<4x128xi32, #tpu.memory_space<hbm>>) dst(%arg6 : memref<4x128xi32, #tpu.memory_space<vmem>>)
      tpu.yield
    }) : () -> ()
    %dma_start3A_6 = arith.constant 0 : i32
    %dma_start3A_7 = arith.constant 0 : i32
    %dma_start3A_8 = tpu.memref_slice %arg6[%dma_start3A_6, %dma_start3A_7] : memref<4x128xi32, #tpu.memory_space<vmem>> -> memref<1x128xi32, #tpu.memory_space<vmem>>
    %dma_start3A_9 = tpu.memref_squeeze %dma_start3A_8 : memref<1x128xi32, #tpu.memory_space<vmem>> -> memref<128xi32, #tpu.memory_space<vmem>>
    %dma_start3A_10 = arith.constant 0 : i32
    %dma_start3A_11 = arith.constant 0 : i32
    %dma_start3A_12 = tpu.memref_slice %arg2[%dma_start3A_10, %dma_start3A_11] : memref<100000x128xf32, #tpu.memory_space<hbm>> -> memref<100000x128xf32, #tpu.memory_space<hbm>>
    tpu.enqueue_indirect_dma source(%dma_start3A_12 : memref<100000x128xf32, #tpu.memory_space<hbm>>) target(%arg8 : memref<128x128xf32, #tpu.memory_space<vmem>>) offsets(%dma_start3A_9 : memref<128xi32, #tpu.memory_space<vmem>>) semaphore(%arg13 : memref<!tpu.dma_semaphore, #tpu.memory_space<semaphore_mem>>)
    %dma_start3A_13 = arith.constant 1 : i32
    %dma_start3A_14 = arith.constant 0 : i32
    %dma_start3A_15 = tpu.memref_slice %arg6[%dma_start3A_13, %dma_start3A_14] : memref<4x128xi32, #tpu.memory_space<vmem>> -> memref<1x128xi32, #tpu.memory_space<vmem>>
    %dma_start3A_16 = tpu.memref_squeeze %dma_start3A_15 : memref<1x128xi32, #tpu.memory_space<vmem>> -> memref<128xi32, #tpu.memory_space<vmem>>
    %dma_start3A_17 = arith.constant 0 : i32
    %dma_start3A_18 = arith.constant 0 : i32
    %dma_start3A_19 = tpu.memref_slice %arg2[%dma_start3A_17, %dma_start3A_18] : memref<100000x128xf32, #tpu.memory_space<hbm>> -> memref<100000x128xf32, #tpu.memory_space<hbm>>
    tpu.enqueue_indirect_dma source(%dma_start3A_19 : memref<100000x128xf32, #tpu.memory_space<hbm>>) target(%arg9 : memref<128x128xf32, #tpu.memory_space<vmem>>) offsets(%dma_start3A_16 : memref<128xi32, #tpu.memory_space<vmem>>) semaphore(%arg13 : memref<!tpu.dma_semaphore, #tpu.memory_space<semaphore_mem>>)
    %dma_start3A_20 = arith.constant 2 : i32
    %dma_start3A_21 = arith.constant 0 : i32
    %dma_start3A_22 = tpu.memref_slice %arg6[%dma_start3A_20, %dma_start3A_21] : memref<4x128xi32, #tpu.memory_space<vmem>> -> memref<1x128xi32, #tpu.memory_space<vmem>>
    %dma_start3A_23 = tpu.memref_squeeze %dma_start3A_22 : memref<1x128xi32, #tpu.memory_space<vmem>> -> memref<128xi32, #tpu.memory_space<vmem>>
    %dma_start3A_24 = arith.constant 0 : i32
    %dma_start3A_25 = arith.constant 0 : i32
    %dma_start3A_26 = tpu.memref_slice %arg2[%dma_start3A_24, %dma_start3A_25] : memref<100000x128xf32, #tpu.memory_space<hbm>> -> memref<100000x128xf32, #tpu.memory_space<hbm>>
    tpu.enqueue_indirect_dma source(%dma_start3A_26 : memref<100000x128xf32, #tpu.memory_space<hbm>>) target(%arg10 : memref<128x128xf32, #tpu.memory_space<vmem>>) offsets(%dma_start3A_23 : memref<128xi32, #tpu.memory_space<vmem>>) semaphore(%arg13 : memref<!tpu.dma_semaphore, #tpu.memory_space<semaphore_mem>>)
    %dma_start3A_27 = arith.constant 3 : i32
    %dma_start3A_28 = arith.constant 0 : i32
    %dma_start3A_29 = tpu.memref_slice %arg6[%dma_start3A_27, %dma_start3A_28] : memref<4x128xi32, #tpu.memory_space<vmem>> -> memref<1x128xi32, #tpu.memory_space<vmem>>
    %dma_start3A_30 = tpu.memref_squeeze %dma_start3A_29 : memref<1x128xi32, #tpu.memory_space<vmem>> -> memref<128xi32, #tpu.memory_space<vmem>>
    %dma_start3A_31 = arith.constant 0 : i32
    %dma_start3A_32 = arith.constant 0 : i32
    %dma_start3A_33 = tpu.memref_slice %arg2[%dma_start3A_31, %dma_start3A_32] : memref<100000x128xf32, #tpu.memory_space<hbm>> -> memref<100000x128xf32, #tpu.memory_space<hbm>>
    tpu.enqueue_indirect_dma source(%dma_start3A_33 : memref<100000x128xf32, #tpu.memory_space<hbm>>) target(%arg11 : memref<128x128xf32, #tpu.memory_space<vmem>>) offsets(%dma_start3A_30 : memref<128xi32, #tpu.memory_space<vmem>>) semaphore(%arg13 : memref<!tpu.dma_semaphore, #tpu.memory_space<semaphore_mem>>)
    %dma_wait3A = arith.constant 0 : i32
    %dma_wait3A_34 = tpu.memref_slice %arg3[%mul3A_2, %dma_wait3A] : memref<4096x128xf32, #tpu.memory_space<hbm>> -> memref<128x128xf32, #tpu.memory_space<hbm>>
    %dma_wait3A_35 = arith.constant 0 : i32
    %dma_wait3A_36 = tpu.memref_slice %arg3[%mul3A_2, %dma_wait3A_35] : memref<4096x128xf32, #tpu.memory_space<hbm>> -> memref<128x128xf32, #tpu.memory_space<hbm>>
    tpu.wait_dma2 semaphore(%arg12 : memref<!tpu.dma_semaphore, #tpu.memory_space<semaphore_mem>>) src(%dma_wait3A_36 : memref<128x128xf32, #tpu.memory_space<hbm>>) dst(%arg7 : memref<128x128xf32, #tpu.memory_space<vmem>>)
    %dma_wait3A_37 = arith.constant 0 : i32
    %dma_wait3A_38 = arith.constant 0 : i32
    %dma_wait3A_39 = tpu.memref_slice %arg6[%dma_wait3A_37, %dma_wait3A_38] : memref<4x128xi32, #tpu.memory_space<vmem>> -> memref<1x128xi32, #tpu.memory_space<vmem>>
    %dma_wait3A_40 = tpu.memref_squeeze %dma_wait3A_39 : memref<1x128xi32, #tpu.memory_space<vmem>> -> memref<128xi32, #tpu.memory_space<vmem>>
    %dma_wait3A_41 = arith.constant 0 : i32
    %dma_wait3A_42 = arith.constant 0 : i32
    %dma_wait3A_43 = tpu.memref_slice %arg2[%dma_wait3A_41, %dma_wait3A_42] : memref<100000x128xf32, #tpu.memory_space<hbm>> -> memref<100000x128xf32, #tpu.memory_space<hbm>>
    tpu.wait_indirect_dma semaphore(%arg13 : memref<!tpu.dma_semaphore, #tpu.memory_space<semaphore_mem>>) src(%dma_wait3A_43 : memref<100000x128xf32, #tpu.memory_space<hbm>>) dst(%arg8 : memref<128x128xf32, #tpu.memory_space<vmem>>)
    %scan3A = arith.constant 0 : i32
    %scan3A_44 = arith.constant 0 : i32
    %scan3A_45 = arith.constant 128 : i32
    %scan3A_46 = arith.addi %scan3A_44, %scan3A_45 : i32
    %scan3A_47 = arith.constant 1 : i32
    scf.for %scan3A_144 = %scan3A_44 to %scan3A_46 step %scan3A_47  : i32 {
      %get3A = arith.index_cast %scan3A_144 : i32 to index
      %get3A_145 = arith.constant 0 : index
      %get3A_146 = tpu.vector_load %arg7[%get3A, %get3A_145] {strides = array<i32>} : memref<128x128xf32, #tpu.memory_space<vmem>>, vector<1x16xf32>,
      %get3A_147 = vector.shape_cast %get3A_146 : vector<1x16xf32> to vector<16xf32>
      %swap3A = arith.index_cast %scan3A_144 : i32 to index
      %swap3A_148 = arith.constant 0 : index
      %swap3A_149 = tpu.vector_load %arg8[%swap3A, %swap3A_148] {strides = array<i32>} : memref<128x128xf32, #tpu.memory_space<vmem>>, vector<1x16xf32>,
      %swap3A_150 = vector.shape_cast %swap3A_149 : vector<1x16xf32> to vector<16xf32>
      %swap3A_151 = vector.shape_cast %get3A_147 : vector<16xf32> to vector<1x16xf32>
      tpu.vector_store %arg8[%swap3A, %swap3A_148], %swap3A_151 {add = true, strides = array<i32>} : memref<128x128xf32, #tpu.memory_space<vmem>>, vector<1x16xf32>,
      %get3A_152 = arith.index_cast %scan3A_144 : i32 to index
      %get3A_153 = arith.constant 16 : index
      %get3A_154 = tpu.vector_load %arg7[%get3A_152, %get3A_153] {strides = array<i32>} : memref<128x128xf32, #tpu.memory_space<vmem>>, vector<1x16xf32>,
      %get3A_155 = vector.shape_cast %get3A_154 : vector<1x16xf32> to vector<16xf32>
      %swap3A_156 = arith.index_cast %scan3A_144 : i32 to index
      %swap3A_157 = arith.constant 16 : index
      %swap3A_158 = tpu.vector_load %arg8[%swap3A_156, %swap3A_157] {strides = array<i32>} : memref<128x128xf32, #tpu.memory_space<vmem>>, vector<1x16xf32>,
      %swap3A_159 = vector.shape_cast %swap3A_158 : vector<1x16xf32> to vector<16xf32>
      %swap3A_160 = vector.shape_cast %get3A_155 : vector<16xf32> to vector<1x16xf32>
      tpu.vector_store %arg8[%swap3A_156, %swap3A_157], %swap3A_160 {add = true, strides = array<i32>} : memref<128x128xf32, #tpu.memory_space<vmem>>, vector<1x16xf32>,
      %get3A_161 = arith.index_cast %scan3A_144 : i32 to index
      %get3A_162 = arith.constant 32 : index
      %get3A_163 = tpu.vector_load %arg7[%get3A_161, %get3A_162] {strides = array<i32>} : memref<128x128xf32, #tpu.memory_space<vmem>>, vector<1x16xf32>,
      %get3A_164 = vector.shape_cast %get3A_163 : vector<1x16xf32> to vector<16xf32>
      %swap3A_165 = arith.index_cast %scan3A_144 : i32 to index
      %swap3A_166 = arith.constant 32 : index
      %swap3A_167 = tpu.vector_load %arg8[%swap3A_165, %swap3A_166] {strides = array<i32>} : memref<128x128xf32, #tpu.memory_space<vmem>>, vector<1x16xf32>,
      %swap3A_168 = vector.shape_cast %swap3A_167 : vector<1x16xf32> to vector<16xf32>
      %swap3A_169 = vector.shape_cast %get3A_164 : vector<16xf32> to vector<1x16xf32>
      tpu.vector_store %arg8[%swap3A_165, %swap3A_166], %swap3A_169 {add = true, strides = array<i32>} : memref<128x128xf32, #tpu.memory_space<vmem>>, vector<1x16xf32>,
      %get3A_170 = arith.index_cast %scan3A_144 : i32 to index
      %get3A_171 = arith.constant 48 : index
      %get3A_172 = tpu.vector_load %arg7[%get3A_170, %get3A_171] {strides = array<i32>} : memref<128x128xf32, #tpu.memory_space<vmem>>, vector<1x16xf32>,
      %get3A_173 = vector.shape_cast %get3A_172 : vector<1x16xf32> to vector<16xf32>
      %swap3A_174 = arith.index_cast %scan3A_144 : i32 to index
      %swap3A_175 = arith.constant 48 : index
      %swap3A_176 = tpu.vector_load %arg8[%swap3A_174, %swap3A_175] {strides = array<i32>} : memref<128x128xf32, #tpu.memory_space<vmem>>, vector<1x16xf32>,
      %swap3A_177 = vector.shape_cast %swap3A_176 : vector<1x16xf32> to vector<16xf32>
      %swap3A_178 = vector.shape_cast %get3A_173 : vector<16xf32> to vector<1x16xf32>
      tpu.vector_store %arg8[%swap3A_174, %swap3A_175], %swap3A_178 {add = true, strides = array<i32>} : memref<128x128xf32, #tpu.memory_space<vmem>>, vector<1x16xf32>,
      %get3A_179 = arith.index_cast %scan3A_144 : i32 to index
      %get3A_180 = arith.constant 64 : index
      %get3A_181 = tpu.vector_load %arg7[%get3A_179, %get3A_180] {strides = array<i32>} : memref<128x128xf32, #tpu.memory_space<vmem>>, vector<1x16xf32>,
      %get3A_182 = vector.shape_cast %get3A_181 : vector<1x16xf32> to vector<16xf32>
      %swap3A_183 = arith.index_cast %scan3A_144 : i32 to index
      %swap3A_184 = arith.constant 64 : index
      %swap3A_185 = tpu.vector_load %arg8[%swap3A_183, %swap3A_184] {strides = array<i32>} : memref<128x128xf32, #tpu.memory_space<vmem>>, vector<1x16xf32>,
      %swap3A_186 = vector.shape_cast %swap3A_185 : vector<1x16xf32> to vector<16xf32>
      %swap3A_187 = vector.shape_cast %get3A_182 : vector<16xf32> to vector<1x16xf32>
      tpu.vector_store %arg8[%swap3A_183, %swap3A_184], %swap3A_187 {add = true, strides = array<i32>} : memref<128x128xf32, #tpu.memory_space<vmem>>, vector<1x16xf32>,
      %get3A_188 = arith.index_cast %scan3A_144 : i32 to index
      %get3A_189 = arith.constant 80 : index
      %get3A_190 = tpu.vector_load %arg7[%get3A_188, %get3A_189] {strides = array<i32>} : memref<128x128xf32, #tpu.memory_space<vmem>>, vector<1x16xf32>,
      %get3A_191 = vector.shape_cast %get3A_190 : vector<1x16xf32> to vector<16xf32>
      %swap3A_192 = arith.index_cast %scan3A_144 : i32 to index
      %swap3A_193 = arith.constant 80 : index
      %swap3A_194 = tpu.vector_load %arg8[%swap3A_192, %swap3A_193] {strides = array<i32>} : memref<128x128xf32, #tpu.memory_space<vmem>>, vector<1x16xf32>,
      %swap3A_195 = vector.shape_cast %swap3A_194 : vector<1x16xf32> to vector<16xf32>
      %swap3A_196 = vector.shape_cast %get3A_191 : vector<16xf32> to vector<1x16xf32>
      tpu.vector_store %arg8[%swap3A_192, %swap3A_193], %swap3A_196 {add = true, strides = array<i32>} : memref<128x128xf32, #tpu.memory_space<vmem>>, vector<1x16xf32>,
      %get3A_197 = arith.index_cast %scan3A_144 : i32 to index
      %get3A_198 = arith.constant 96 : index
      %get3A_199 = tpu.vector_load %arg7[%get3A_197, %get3A_198] {strides = array<i32>} : memref<128x128xf32, #tpu.memory_space<vmem>>, vector<1x16xf32>,
      %get3A_200 = vector.shape_cast %get3A_199 : vector<1x16xf32> to vector<16xf32>
      %swap3A_201 = arith.index_cast %scan3A_144 : i32 to index
      %swap3A_202 = arith.constant 96 : index
      %swap3A_203 = tpu.vector_load %arg8[%swap3A_201, %swap3A_202] {strides = array<i32>} : memref<128x128xf32, #tpu.memory_space<vmem>>, vector<1x16xf32>,
      %swap3A_204 = vector.shape_cast %swap3A_203 : vector<1x16xf32> to vector<16xf32>
      %swap3A_205 = vector.shape_cast %get3A_200 : vector<16xf32> to vector<1x16xf32>
      tpu.vector_store %arg8[%swap3A_201, %swap3A_202], %swap3A_205 {add = true, strides = array<i32>} : memref<128x128xf32, #tpu.memory_space<vmem>>, vector<1x16xf32>,
      %get3A_206 = arith.index_cast %scan3A_144 : i32 to index
      %get3A_207 = arith.constant 112 : index
      %get3A_208 = tpu.vector_load %arg7[%get3A_206, %get3A_207] {strides = array<i32>} : memref<128x128xf32, #tpu.memory_space<vmem>>, vector<1x16xf32>,
      %get3A_209 = vector.shape_cast %get3A_208 : vector<1x16xf32> to vector<16xf32>
      %swap3A_210 = arith.index_cast %scan3A_144 : i32 to index
      %swap3A_211 = arith.constant 112 : index
      %swap3A_212 = tpu.vector_load %arg8[%swap3A_210, %swap3A_211] {strides = array<i32>} : memref<128x128xf32, #tpu.memory_space<vmem>>, vector<1x16xf32>,
      %swap3A_213 = vector.shape_cast %swap3A_212 : vector<1x16xf32> to vector<16xf32>
      %swap3A_214 = vector.shape_cast %get3A_209 : vector<16xf32> to vector<1x16xf32>
      tpu.vector_store %arg8[%swap3A_210, %swap3A_211], %swap3A_214 {add = true, strides = array<i32>} : memref<128x128xf32, #tpu.memory_space<vmem>>, vector<1x16xf32>,
    }
    %scan3A_48 = arith.constant 128 : i32
    %dma_start3A_49 = arith.constant 0 : i32
    %dma_start3A_50 = arith.constant 0 : i32
    %dma_start3A_51 = tpu.memref_slice %arg5[%dma_start3A_49, %mul3A_2, %dma_start3A_50] : memref<4x4096x128xf32, #tpu.memory_space<hbm>> -> memref<1x128x128xf32, #tpu.memory_space<hbm>>
    %dma_start3A_52 = tpu.memref_squeeze %dma_start3A_51 : memref<1x128x128xf32, #tpu.memory_space<hbm>> -> memref<128x128xf32, #tpu.memory_space<hbm>>
    %dma_start3A_53 = arith.constant 0 : i32
    %dma_start3A_54 = tpu.memref_slice %arg5[%dma_start3A_49, %mul3A_2, %dma_start3A_53] : memref<4x4096x128xf32, #tpu.memory_space<hbm>> -> memref<1x128x128xf32, #tpu.memory_space<hbm>>
    %dma_start3A_55 = tpu.memref_squeeze %dma_start3A_54 : memref<1x128x128xf32, #tpu.memory_space<hbm>> -> memref<128x128xf32, #tpu.memory_space<hbm>>
    tpu.enqueue_dma source(%arg8 : memref<128x128xf32, #tpu.memory_space<vmem>>) target(%dma_start3A_55 : memref<128x128xf32, #tpu.memory_space<hbm>>) target_semaphore(%arg14 : memref<!tpu.dma_semaphore, #tpu.memory_space<semaphore_mem>>)
    %dma_wait3A_56 = arith.constant 1 : i32
    %dma_wait3A_57 = arith.constant 0 : i32
    %dma_wait3A_58 = tpu.memref_slice %arg6[%dma_wait3A_56, %dma_wait3A_57] : memref<4x128xi32, #tpu.memory_space<vmem>> -> memref<1x128xi32, #tpu.memory_space<vmem>>
    %dma_wait3A_59 = tpu.memref_squeeze %dma_wait3A_58 : memref<1x128xi32, #tpu.memory_space<vmem>> -> memref<128xi32, #tpu.memory_space<vmem>>
    %dma_wait3A_60 = arith.constant 0 : i32
    %dma_wait3A_61 = arith.constant 0 : i32
    %dma_wait3A_62 = tpu.memref_slice %arg2[%dma_wait3A_60, %dma_wait3A_61] : memref<100000x128xf32, #tpu.memory_space<hbm>> -> memref<100000x128xf32, #tpu.memory_space<hbm>>
    tpu.wait_indirect_dma semaphore(%arg13 : memref<!tpu.dma_semaphore, #tpu.memory_space<semaphore_mem>>) src(%dma_wait3A_62 : memref<100000x128xf32, #tpu.memory_space<hbm>>) dst(%arg9 : memref<128x128xf32, #tpu.memory_space<vmem>>)
    %scan3A_63 = arith.constant 0 : i32
    %scan3A_64 = arith.constant 0 : i32
    %scan3A_65 = arith.constant 128 : i32
    %scan3A_66 = arith.addi %scan3A_64, %scan3A_65 : i32
    %scan3A_67 = arith.constant 1 : i32
    scf.for %scan3A_144 = %scan3A_64 to %scan3A_66 step %scan3A_67  : i32 {
      %get3A = arith.index_cast %scan3A_144 : i32 to index
      %get3A_145 = arith.constant 0 : index
      %get3A_146 = tpu.vector_load %arg7[%get3A, %get3A_145] {strides = array<i32>} : memref<128x128xf32, #tpu.memory_space<vmem>>, vector<1x16xf32>,
      %get3A_147 = vector.shape_cast %get3A_146 : vector<1x16xf32> to vector<16xf32>
      %swap3A = arith.index_cast %scan3A_144 : i32 to index
      %swap3A_148 = arith.constant 0 : index
      %swap3A_149 = tpu.vector_load %arg9[%swap3A, %swap3A_148] {strides = array<i32>} : memref<128x128xf32, #tpu.memory_space<vmem>>, vector<1x16xf32>,
      %swap3A_150 = vector.shape_cast %swap3A_149 : vector<1x16xf32> to vector<16xf32>
      %swap3A_151 = vector.shape_cast %get3A_147 : vector<16xf32> to vector<1x16xf32>
      tpu.vector_store %arg9[%swap3A, %swap3A_148], %swap3A_151 {add = true, strides = array<i32>} : memref<128x128xf32, #tpu.memory_space<vmem>>, vector<1x16xf32>,
      %get3A_152 = arith.index_cast %scan3A_144 : i32 to index
      %get3A_153 = arith.constant 16 : index
      %get3A_154 = tpu.vector_load %arg7[%get3A_152, %get3A_153] {strides = array<i32>} : memref<128x128xf32, #tpu.memory_space<vmem>>, vector<1x16xf32>,
      %get3A_155 = vector.shape_cast %get3A_154 : vector<1x16xf32> to vector<16xf32>
      %swap3A_156 = arith.index_cast %scan3A_144 : i32 to index
      %swap3A_157 = arith.constant 16 : index
      %swap3A_158 = tpu.vector_load %arg9[%swap3A_156, %swap3A_157] {strides = array<i32>} : memref<128x128xf32, #tpu.memory_space<vmem>>, vector<1x16xf32>,
      %swap3A_159 = vector.shape_cast %swap3A_158 : vector<1x16xf32> to vector<16xf32>
      %swap3A_160 = vector.shape_cast %get3A_155 : vector<16xf32> to vector<1x16xf32>
      tpu.vector_store %arg9[%swap3A_156, %swap3A_157], %swap3A_160 {add = true, strides = array<i32>} : memref<128x128xf32, #tpu.memory_space<vmem>>, vector<1x16xf32>,
      %get3A_161 = arith.index_cast %scan3A_144 : i32 to index
      %get3A_162 = arith.constant 32 : index
      %get3A_163 = tpu.vector_load %arg7[%get3A_161, %get3A_162] {strides = array<i32>} : memref<128x128xf32, #tpu.memory_space<vmem>>, vector<1x16xf32>,
      %get3A_164 = vector.shape_cast %get3A_163 : vector<1x16xf32> to vector<16xf32>
      %swap3A_165 = arith.index_cast %scan3A_144 : i32 to index
      %swap3A_166 = arith.constant 32 : index
      %swap3A_167 = tpu.vector_load %arg9[%swap3A_165, %swap3A_166] {strides = array<i32>} : memref<128x128xf32, #tpu.memory_space<vmem>>, vector<1x16xf32>,
      %swap3A_168 = vector.shape_cast %swap3A_167 : vector<1x16xf32> to vector<16xf32>
      %swap3A_169 = vector.shape_cast %get3A_164 : vector<16xf32> to vector<1x16xf32>
      tpu.vector_store %arg9[%swap3A_165, %swap3A_166], %swap3A_169 {add = true, strides = array<i32>} : memref<128x128xf32, #tpu.memory_space<vmem>>, vector<1x16xf32>,
      %get3A_170 = arith.index_cast %scan3A_144 : i32 to index
      %get3A_171 = arith.constant 48 : index
      %get3A_172 = tpu.vector_load %arg7[%get3A_170, %get3A_171] {strides = array<i32>} : memref<128x128xf32, #tpu.memory_space<vmem>>, vector<1x16xf32>,
      %get3A_173 = vector.shape_cast %get3A_172 : vector<1x16xf32> to vector<16xf32>
      %swap3A_174 = arith.index_cast %scan3A_144 : i32 to index
      %swap3A_175 = arith.constant 48 : index
      %swap3A_176 = tpu.vector_load %arg9[%swap3A_174, %swap3A_175] {strides = array<i32>} : memref<128x128xf32, #tpu.memory_space<vmem>>, vector<1x16xf32>,
      %swap3A_177 = vector.shape_cast %swap3A_176 : vector<1x16xf32> to vector<16xf32>
      %swap3A_178 = vector.shape_cast %get3A_173 : vector<16xf32> to vector<1x16xf32>
      tpu.vector_store %arg9[%swap3A_174, %swap3A_175], %swap3A_178 {add = true, strides = array<i32>} : memref<128x128xf32, #tpu.memory_space<vmem>>, vector<1x16xf32>,
      %get3A_179 = arith.index_cast %scan3A_144 : i32 to index
      %get3A_180 = arith.constant 64 : index
      %get3A_181 = tpu.vector_load %arg7[%get3A_179, %get3A_180] {strides = array<i32>} : memref<128x128xf32, #tpu.memory_space<vmem>>, vector<1x16xf32>,
      %get3A_182 = vector.shape_cast %get3A_181 : vector<1x16xf32> to vector<16xf32>
      %swap3A_183 = arith.index_cast %scan3A_144 : i32 to index
      %swap3A_184 = arith.constant 64 : index
      %swap3A_185 = tpu.vector_load %arg9[%swap3A_183, %swap3A_184] {strides = array<i32>} : memref<128x128xf32, #tpu.memory_space<vmem>>, vector<1x16xf32>,
      %swap3A_186 = vector.shape_cast %swap3A_185 : vector<1x16xf32> to vector<16xf32>
      %swap3A_187 = vector.shape_cast %get3A_182 : vector<16xf32> to vector<1x16xf32>
      tpu.vector_store %arg9[%swap3A_183, %swap3A_184], %swap3A_187 {add = true, strides = array<i32>} : memref<128x128xf32, #tpu.memory_space<vmem>>, vector<1x16xf32>,
      %get3A_188 = arith.index_cast %scan3A_144 : i32 to index
      %get3A_189 = arith.constant 80 : index
      %get3A_190 = tpu.vector_load %arg7[%get3A_188, %get3A_189] {strides = array<i32>} : memref<128x128xf32, #tpu.memory_space<vmem>>, vector<1x16xf32>,
      %get3A_191 = vector.shape_cast %get3A_190 : vector<1x16xf32> to vector<16xf32>
      %swap3A_192 = arith.index_cast %scan3A_144 : i32 to index
      %swap3A_193 = arith.constant 80 : index
      %swap3A_194 = tpu.vector_load %arg9[%swap3A_192, %swap3A_193] {strides = array<i32>} : memref<128x128xf32, #tpu.memory_space<vmem>>, vector<1x16xf32>,
      %swap3A_195 = vector.shape_cast %swap3A_194 : vector<1x16xf32> to vector<16xf32>
      %swap3A_196 = vector.shape_cast %get3A_191 : vector<16xf32> to vector<1x16xf32>
      tpu.vector_store %arg9[%swap3A_192, %swap3A_193], %swap3A_196 {add = true, strides = array<i32>} : memref<128x128xf32, #tpu.memory_space<vmem>>, vector<1x16xf32>,
      %get3A_197 = arith.index_cast %scan3A_144 : i32 to index
      %get3A_198 = arith.constant 96 : index
      %get3A_199 = tpu.vector_load %arg7[%get3A_197, %get3A_198] {strides = array<i32>} : memref<128x128xf32, #tpu.memory_space<vmem>>, vector<1x16xf32>,
      %get3A_200 = vector.shape_cast %get3A_199 : vector<1x16xf32> to vector<16xf32>
      %swap3A_201 = arith.index_cast %scan3A_144 : i32 to index
      %swap3A_202 = arith.constant 96 : index
      %swap3A_203 = tpu.vector_load %arg9[%swap3A_201, %swap3A_202] {strides = array<i32>} : memref<128x128xf32, #tpu.memory_space<vmem>>, vector<1x16xf32>,
      %swap3A_204 = vector.shape_cast %swap3A_203 : vector<1x16xf32> to vector<16xf32>
      %swap3A_205 = vector.shape_cast %get3A_200 : vector<16xf32> to vector<1x16xf32>
      tpu.vector_store %arg9[%swap3A_201, %swap3A_202], %swap3A_205 {add = true, strides = array<i32>} : memref<128x128xf32, #tpu.memory_space<vmem>>, vector<1x16xf32>,
      %get3A_206 = arith.index_cast %scan3A_144 : i32 to index
      %get3A_207 = arith.constant 112 : index
      %get3A_208 = tpu.vector_load %arg7[%get3A_206, %get3A_207] {strides = array<i32>} : memref<128x128xf32, #tpu.memory_space<vmem>>, vector<1x16xf32>,
      %get3A_209 = vector.shape_cast %get3A_208 : vector<1x16xf32> to vector<16xf32>
      %swap3A_210 = arith.index_cast %scan3A_144 : i32 to index
      %swap3A_211 = arith.constant 112 : index
      %swap3A_212 = tpu.vector_load %arg9[%swap3A_210, %swap3A_211] {strides = array<i32>} : memref<128x128xf32, #tpu.memory_space<vmem>>, vector<1x16xf32>,
      %swap3A_213 = vector.shape_cast %swap3A_212 : vector<1x16xf32> to vector<16xf32>
      %swap3A_214 = vector.shape_cast %get3A_209 : vector<16xf32> to vector<1x16xf32>
      tpu.vector_store %arg9[%swap3A_210, %swap3A_211], %swap3A_214 {add = true, strides = array<i32>} : memref<128x128xf32, #tpu.memory_space<vmem>>, vector<1x16xf32>,
    }
    %scan3A_68 = arith.constant 128 : i32
    %dma_start3A_69 = arith.constant 1 : i32
    %dma_start3A_70 = arith.constant 0 : i32
    %dma_start3A_71 = tpu.memref_slice %arg5[%dma_start3A_69, %mul3A_2, %dma_start3A_70] : memref<4x4096x128xf32, #tpu.memory_space<hbm>> -> memref<1x128x128xf32, #tpu.memory_space<hbm>>
    %dma_start3A_72 = tpu.memref_squeeze %dma_start3A_71 : memref<1x128x128xf32, #tpu.memory_space<hbm>> -> memref<128x128xf32, #tpu.memory_space<hbm>>
    %dma_start3A_73 = arith.constant 0 : i32
    %dma_start3A_74 = tpu.memref_slice %arg5[%dma_start3A_69, %mul3A_2, %dma_start3A_73] : memref<4x4096x128xf32, #tpu.memory_space<hbm>> -> memref<1x128x128xf32, #tpu.memory_space<hbm>>
    %dma_start3A_75 = tpu.memref_squeeze %dma_start3A_74 : memref<1x128x128xf32, #tpu.memory_space<hbm>> -> memref<128x128xf32, #tpu.memory_space<hbm>>
    tpu.enqueue_dma source(%arg9 : memref<128x128xf32, #tpu.memory_space<vmem>>) target(%dma_start3A_75 : memref<128x128xf32, #tpu.memory_space<hbm>>) target_semaphore(%arg14 : memref<!tpu.dma_semaphore, #tpu.memory_space<semaphore_mem>>)
    %dma_wait3A_76 = arith.constant 2 : i32
    %dma_wait3A_77 = arith.constant 0 : i32
    %dma_wait3A_78 = tpu.memref_slice %arg6[%dma_wait3A_76, %dma_wait3A_77] : memref<4x128xi32, #tpu.memory_space<vmem>> -> memref<1x128xi32, #tpu.memory_space<vmem>>
    %dma_wait3A_79 = tpu.memref_squeeze %dma_wait3A_78 : memref<1x128xi32, #tpu.memory_space<vmem>> -> memref<128xi32, #tpu.memory_space<vmem>>
    %dma_wait3A_80 = arith.constant 0 : i32
    %dma_wait3A_81 = arith.constant 0 : i32
    %dma_wait3A_82 = tpu.memref_slice %arg2[%dma_wait3A_80, %dma_wait3A_81] : memref<100000x128xf32, #tpu.memory_space<hbm>> -> memref<100000x128xf32, #tpu.memory_space<hbm>>
    tpu.wait_indirect_dma semaphore(%arg13 : memref<!tpu.dma_semaphore, #tpu.memory_space<semaphore_mem>>) src(%dma_wait3A_82 : memref<100000x128xf32, #tpu.memory_space<hbm>>) dst(%arg10 : memref<128x128xf32, #tpu.memory_space<vmem>>)
    %scan3A_83 = arith.constant 0 : i32
    %scan3A_84 = arith.constant 0 : i32
    %scan3A_85 = arith.constant 128 : i32
    %scan3A_86 = arith.addi %scan3A_84, %scan3A_85 : i32
    %scan3A_87 = arith.constant 1 : i32
    scf.for %scan3A_144 = %scan3A_84 to %scan3A_86 step %scan3A_87  : i32 {
      %get3A = arith.index_cast %scan3A_144 : i32 to index
      %get3A_145 = arith.constant 0 : index
      %get3A_146 = tpu.vector_load %arg7[%get3A, %get3A_145] {strides = array<i32>} : memref<128x128xf32, #tpu.memory_space<vmem>>, vector<1x16xf32>,
      %get3A_147 = vector.shape_cast %get3A_146 : vector<1x16xf32> to vector<16xf32>
      %swap3A = arith.index_cast %scan3A_144 : i32 to index
      %swap3A_148 = arith.constant 0 : index
      %swap3A_149 = tpu.vector_load %arg10[%swap3A, %swap3A_148] {strides = array<i32>} : memref<128x128xf32, #tpu.memory_space<vmem>>, vector<1x16xf32>,
      %swap3A_150 = vector.shape_cast %swap3A_149 : vector<1x16xf32> to vector<16xf32>
      %swap3A_151 = vector.shape_cast %get3A_147 : vector<16xf32> to vector<1x16xf32>
      tpu.vector_store %arg10[%swap3A, %swap3A_148], %swap3A_151 {add = true, strides = array<i32>} : memref<128x128xf32, #tpu.memory_space<vmem>>, vector<1x16xf32>,
      %get3A_152 = arith.index_cast %scan3A_144 : i32 to index
      %get3A_153 = arith.constant 16 : index
      %get3A_154 = tpu.vector_load %arg7[%get3A_152, %get3A_153] {strides = array<i32>} : memref<128x128xf32, #tpu.memory_space<vmem>>, vector<1x16xf32>,
      %get3A_155 = vector.shape_cast %get3A_154 : vector<1x16xf32> to vector<16xf32>
      %swap3A_156 = arith.index_cast %scan3A_144 : i32 to index
      %swap3A_157 = arith.constant 16 : index
      %swap3A_158 = tpu.vector_load %arg10[%swap3A_156, %swap3A_157] {strides = array<i32>} : memref<128x128xf32, #tpu.memory_space<vmem>>, vector<1x16xf32>,
      %swap3A_159 = vector.shape_cast %swap3A_158 : vector<1x16xf32> to vector<16xf32>
      %swap3A_160 = vector.shape_cast %get3A_155 : vector<16xf32> to vector<1x16xf32>
      tpu.vector_store %arg10[%swap3A_156, %swap3A_157], %swap3A_160 {add = true, strides = array<i32>} : memref<128x128xf32, #tpu.memory_space<vmem>>, vector<1x16xf32>,
      %get3A_161 = arith.index_cast %scan3A_144 : i32 to index
      %get3A_162 = arith.constant 32 : index
      %get3A_163 = tpu.vector_load %arg7[%get3A_161, %get3A_162] {strides = array<i32>} : memref<128x128xf32, #tpu.memory_space<vmem>>, vector<1x16xf32>,
      %get3A_164 = vector.shape_cast %get3A_163 : vector<1x16xf32> to vector<16xf32>
      %swap3A_165 = arith.index_cast %scan3A_144 : i32 to index
      %swap3A_166 = arith.constant 32 : index
      %swap3A_167 = tpu.vector_load %arg10[%swap3A_165, %swap3A_166] {strides = array<i32>} : memref<128x128xf32, #tpu.memory_space<vmem>>, vector<1x16xf32>,
      %swap3A_168 = vector.shape_cast %swap3A_167 : vector<1x16xf32> to vector<16xf32>
      %swap3A_169 = vector.shape_cast %get3A_164 : vector<16xf32> to vector<1x16xf32>
      tpu.vector_store %arg10[%swap3A_165, %swap3A_166], %swap3A_169 {add = true, strides = array<i32>} : memref<128x128xf32, #tpu.memory_space<vmem>>, vector<1x16xf32>,
      %get3A_170 = arith.index_cast %scan3A_144 : i32 to index
      %get3A_171 = arith.constant 48 : index
      %get3A_172 = tpu.vector_load %arg7[%get3A_170, %get3A_171] {strides = array<i32>} : memref<128x128xf32, #tpu.memory_space<vmem>>, vector<1x16xf32>,
      %get3A_173 = vector.shape_cast %get3A_172 : vector<1x16xf32> to vector<16xf32>
      %swap3A_174 = arith.index_cast %scan3A_144 : i32 to index
      %swap3A_175 = arith.constant 48 : index
      %swap3A_176 = tpu.vector_load %arg10[%swap3A_174, %swap3A_175] {strides = array<i32>} : memref<128x128xf32, #tpu.memory_space<vmem>>, vector<1x16xf32>,
      %swap3A_177 = vector.shape_cast %swap3A_176 : vector<1x16xf32> to vector<16xf32>
      %swap3A_178 = vector.shape_cast %get3A_173 : vector<16xf32> to vector<1x16xf32>
      tpu.vector_store %arg10[%swap3A_174, %swap3A_175], %swap3A_178 {add = true, strides = array<i32>} : memref<128x128xf32, #tpu.memory_space<vmem>>, vector<1x16xf32>,
      %get3A_179 = arith.index_cast %scan3A_144 : i32 to index
      %get3A_180 = arith.constant 64 : index
      %get3A_181 = tpu.vector_load %arg7[%get3A_179, %get3A_180] {strides = array<i32>} : memref<128x128xf32, #tpu.memory_space<vmem>>, vector<1x16xf32>,
      %get3A_182 = vector.shape_cast %get3A_181 : vector<1x16xf32> to vector<16xf32>
      %swap3A_183 = arith.index_cast %scan3A_144 : i32 to index
      %swap3A_184 = arith.constant 64 : index
      %swap3A_185 = tpu.vector_load %arg10[%swap3A_183, %swap3A_184] {strides = array<i32>} : memref<128x128xf32, #tpu.memory_space<vmem>>, vector<1x16xf32>,
      %swap3A_186 = vector.shape_cast %swap3A_185 : vector<1x16xf32> to vector<16xf32>
      %swap3A_187 = vector.shape_cast %get3A_182 : vector<16xf32> to vector<1x16xf32>
      tpu.vector_store %arg10[%swap3A_183, %swap3A_184], %swap3A_187 {add = true, strides = array<i32>} : memref<128x128xf32, #tpu.memory_space<vmem>>, vector<1x16xf32>,
      %get3A_188 = arith.index_cast %scan3A_144 : i32 to index
      %get3A_189 = arith.constant 80 : index
      %get3A_190 = tpu.vector_load %arg7[%get3A_188, %get3A_189] {strides = array<i32>} : memref<128x128xf32, #tpu.memory_space<vmem>>, vector<1x16xf32>,
      %get3A_191 = vector.shape_cast %get3A_190 : vector<1x16xf32> to vector<16xf32>
      %swap3A_192 = arith.index_cast %scan3A_144 : i32 to index
      %swap3A_193 = arith.constant 80 : index
      %swap3A_194 = tpu.vector_load %arg10[%swap3A_192, %swap3A_193] {strides = array<i32>} : memref<128x128xf32, #tpu.memory_space<vmem>>, vector<1x16xf32>,
      %swap3A_195 = vector.shape_cast %swap3A_194 : vector<1x16xf32> to vector<16xf32>
      %swap3A_196 = vector.shape_cast %get3A_191 : vector<16xf32> to vector<1x16xf32>
      tpu.vector_store %arg10[%swap3A_192, %swap3A_193], %swap3A_196 {add = true, strides = array<i32>} : memref<128x128xf32, #tpu.memory_space<vmem>>, vector<1x16xf32>,
      %get3A_197 = arith.index_cast %scan3A_144 : i32 to index
      %get3A_198 = arith.constant 96 : index
      %get3A_199 = tpu.vector_load %arg7[%get3A_197, %get3A_198] {strides = array<i32>} : memref<128x128xf32, #tpu.memory_space<vmem>>, vector<1x16xf32>,
      %get3A_200 = vector.shape_cast %get3A_199 : vector<1x16xf32> to vector<16xf32>
      %swap3A_201 = arith.index_cast %scan3A_144 : i32 to index
      %swap3A_202 = arith.constant 96 : index
      %swap3A_203 = tpu.vector_load %arg10[%swap3A_201, %swap3A_202] {strides = array<i32>} : memref<128x128xf32, #tpu.memory_space<vmem>>, vector<1x16xf32>,
      %swap3A_204 = vector.shape_cast %swap3A_203 : vector<1x16xf32> to vector<16xf32>
      %swap3A_205 = vector.shape_cast %get3A_200 : vector<16xf32> to vector<1x16xf32>
      tpu.vector_store %arg10[%swap3A_201, %swap3A_202], %swap3A_205 {add = true, strides = array<i32>} : memref<128x128xf32, #tpu.memory_space<vmem>>, vector<1x16xf32>,
      %get3A_206 = arith.index_cast %scan3A_144 : i32 to index
      %get3A_207 = arith.constant 112 : index
      %get3A_208 = tpu.vector_load %arg7[%get3A_206, %get3A_207] {strides = array<i32>} : memref<128x128xf32, #tpu.memory_space<vmem>>, vector<1x16xf32>,
      %get3A_209 = vector.shape_cast %get3A_208 : vector<1x16xf32> to vector<16xf32>
      %swap3A_210 = arith.index_cast %scan3A_144 : i32 to index
      %swap3A_211 = arith.constant 112 : index
      %swap3A_212 = tpu.vector_load %arg10[%swap3A_210, %swap3A_211] {strides = array<i32>} : memref<128x128xf32, #tpu.memory_space<vmem>>, vector<1x16xf32>,
      %swap3A_213 = vector.shape_cast %swap3A_212 : vector<1x16xf32> to vector<16xf32>
      %swap3A_214 = vector.shape_cast %get3A_209 : vector<16xf32> to vector<1x16xf32>
      tpu.vector_store %arg10[%swap3A_210, %swap3A_211], %swap3A_214 {add = true, strides = array<i32>} : memref<128x128xf32, #tpu.memory_space<vmem>>, vector<1x16xf32>,
    }
    %scan3A_88 = arith.constant 128 : i32
    %dma_start3A_89 = arith.constant 2 : i32
    %dma_start3A_90 = arith.constant 0 : i32
    %dma_start3A_91 = tpu.memref_slice %arg5[%dma_start3A_89, %mul3A_2, %dma_start3A_90] : memref<4x4096x128xf32, #tpu.memory_space<hbm>> -> memref<1x128x128xf32, #tpu.memory_space<hbm>>
    %dma_start3A_92 = tpu.memref_squeeze %dma_start3A_91 : memref<1x128x128xf32, #tpu.memory_space<hbm>> -> memref<128x128xf32, #tpu.memory_space<hbm>>
    %dma_start3A_93 = arith.constant 0 : i32
    %dma_start3A_94 = tpu.memref_slice %arg5[%dma_start3A_89, %mul3A_2, %dma_start3A_93] : memref<4x4096x128xf32, #tpu.memory_space<hbm>> -> memref<1x128x128xf32, #tpu.memory_space<hbm>>
    %dma_start3A_95 = tpu.memref_squeeze %dma_start3A_94 : memref<1x128x128xf32, #tpu.memory_space<hbm>> -> memref<128x128xf32, #tpu.memory_space<hbm>>
    tpu.enqueue_dma source(%arg10 : memref<128x128xf32, #tpu.memory_space<vmem>>) target(%dma_start3A_95 : memref<128x128xf32, #tpu.memory_space<hbm>>) target_semaphore(%arg14 : memref<!tpu.dma_semaphore, #tpu.memory_space<semaphore_mem>>)
    %dma_wait3A_96 = arith.constant 3 : i32
    %dma_wait3A_97 = arith.constant 0 : i32
    %dma_wait3A_98 = tpu.memref_slice %arg6[%dma_wait3A_96, %dma_wait3A_97] : memref<4x128xi32, #tpu.memory_space<vmem>> -> memref<1x128xi32, #tpu.memory_space<vmem>>
    %dma_wait3A_99 = tpu.memref_squeeze %dma_wait3A_98 : memref<1x128xi32, #tpu.memory_space<vmem>> -> memref<128xi32, #tpu.memory_space<vmem>>
    %dma_wait3A_100 = arith.constant 0 : i32
    %dma_wait3A_101 = arith.constant 0 : i32
    %dma_wait3A_102 = tpu.memref_slice %arg2[%dma_wait3A_100, %dma_wait3A_101] : memref<100000x128xf32, #tpu.memory_space<hbm>> -> memref<100000x128xf32, #tpu.memory_space<hbm>>
    tpu.wait_indirect_dma semaphore(%arg13 : memref<!tpu.dma_semaphore, #tpu.memory_space<semaphore_mem>>) src(%dma_wait3A_102 : memref<100000x128xf32, #tpu.memory_space<hbm>>) dst(%arg11 : memref<128x128xf32, #tpu.memory_space<vmem>>)
    %scan3A_103 = arith.constant 0 : i32
    %scan3A_104 = arith.constant 0 : i32
    %scan3A_105 = arith.constant 128 : i32
    %scan3A_106 = arith.addi %scan3A_104, %scan3A_105 : i32
    %scan3A_107 = arith.constant 1 : i32
    scf.for %scan3A_144 = %scan3A_104 to %scan3A_106 step %scan3A_107  : i32 {
      %get3A = arith.index_cast %scan3A_144 : i32 to index
      %get3A_145 = arith.constant 0 : index
      %get3A_146 = tpu.vector_load %arg7[%get3A, %get3A_145] {strides = array<i32>} : memref<128x128xf32, #tpu.memory_space<vmem>>, vector<1x16xf32>,
      %get3A_147 = vector.shape_cast %get3A_146 : vector<1x16xf32> to vector<16xf32>
      %swap3A = arith.index_cast %scan3A_144 : i32 to index
      %swap3A_148 = arith.constant 0 : index
      %swap3A_149 = tpu.vector_load %arg11[%swap3A, %swap3A_148] {strides = array<i32>} : memref<128x128xf32, #tpu.memory_space<vmem>>, vector<1x16xf32>,
      %swap3A_150 = vector.shape_cast %swap3A_149 : vector<1x16xf32> to vector<16xf32>
      %swap3A_151 = vector.shape_cast %get3A_147 : vector<16xf32> to vector<1x16xf32>
      tpu.vector_store %arg11[%swap3A, %swap3A_148], %swap3A_151 {add = true, strides = array<i32>} : memref<128x128xf32, #tpu.memory_space<vmem>>, vector<1x16xf32>,
      %get3A_152 = arith.index_cast %scan3A_144 : i32 to index
      %get3A_153 = arith.constant 16 : index
      %get3A_154 = tpu.vector_load %arg7[%get3A_152, %get3A_153] {strides = array<i32>} : memref<128x128xf32, #tpu.memory_space<vmem>>, vector<1x16xf32>,
      %get3A_155 = vector.shape_cast %get3A_154 : vector<1x16xf32> to vector<16xf32>
      %swap3A_156 = arith.index_cast %scan3A_144 : i32 to index
      %swap3A_157 = arith.constant 16 : index
      %swap3A_158 = tpu.vector_load %arg11[%swap3A_156, %swap3A_157] {strides = array<i32>} : memref<128x128xf32, #tpu.memory_space<vmem>>, vector<1x16xf32>,
      %swap3A_159 = vector.shape_cast %swap3A_158 : vector<1x16xf32> to vector<16xf32>
      %swap3A_160 = vector.shape_cast %get3A_155 : vector<16xf32> to vector<1x16xf32>
      tpu.vector_store %arg11[%swap3A_156, %swap3A_157], %swap3A_160 {add = true, strides = array<i32>} : memref<128x128xf32, #tpu.memory_space<vmem>>, vector<1x16xf32>,
      %get3A_161 = arith.index_cast %scan3A_144 : i32 to index
      %get3A_162 = arith.constant 32 : index
      %get3A_163 = tpu.vector_load %arg7[%get3A_161, %get3A_162] {strides = array<i32>} : memref<128x128xf32, #tpu.memory_space<vmem>>, vector<1x16xf32>,
      %get3A_164 = vector.shape_cast %get3A_163 : vector<1x16xf32> to vector<16xf32>
      %swap3A_165 = arith.index_cast %scan3A_144 : i32 to index
      %swap3A_166 = arith.constant 32 : index
      %swap3A_167 = tpu.vector_load %arg11[%swap3A_165, %swap3A_166] {strides = array<i32>} : memref<128x128xf32, #tpu.memory_space<vmem>>, vector<1x16xf32>,
      %swap3A_168 = vector.shape_cast %swap3A_167 : vector<1x16xf32> to vector<16xf32>
      %swap3A_169 = vector.shape_cast %get3A_164 : vector<16xf32> to vector<1x16xf32>
      tpu.vector_store %arg11[%swap3A_165, %swap3A_166], %swap3A_169 {add = true, strides = array<i32>} : memref<128x128xf32, #tpu.memory_space<vmem>>, vector<1x16xf32>,
      %get3A_170 = arith.index_cast %scan3A_144 : i32 to index
      %get3A_171 = arith.constant 48 : index
      %get3A_172 = tpu.vector_load %arg7[%get3A_170, %get3A_171] {strides = array<i32>} : memref<128x128xf32, #tpu.memory_space<vmem>>, vector<1x16xf32>,
      %get3A_173 = vector.shape_cast %get3A_172 : vector<1x16xf32> to vector<16xf32>
      %swap3A_174 = arith.index_cast %scan3A_144 : i32 to index
      %swap3A_175 = arith.constant 48 : index
      %swap3A_176 = tpu.vector_load %arg11[%swap3A_174, %swap3A_175] {strides = array<i32>} : memref<128x128xf32, #tpu.memory_space<vmem>>, vector<1x16xf32>,
      %swap3A_177 = vector.shape_cast %swap3A_176 : vector<1x16xf32> to vector<16xf32>
      %swap3A_178 = vector.shape_cast %get3A_173 : vector<16xf32> to vector<1x16xf32>
      tpu.vector_store %arg11[%swap3A_174, %swap3A_175], %swap3A_178 {add = true, strides = array<i32>} : memref<128x128xf32, #tpu.memory_space<vmem>>, vector<1x16xf32>,
      %get3A_179 = arith.index_cast %scan3A_144 : i32 to index
      %get3A_180 = arith.constant 64 : index
      %get3A_181 = tpu.vector_load %arg7[%get3A_179, %get3A_180] {strides = array<i32>} : memref<128x128xf32, #tpu.memory_space<vmem>>, vector<1x16xf32>,
      %get3A_182 = vector.shape_cast %get3A_181 : vector<1x16xf32> to vector<16xf32>
      %swap3A_183 = arith.index_cast %scan3A_144 : i32 to index
      %swap3A_184 = arith.constant 64 : index
      %swap3A_185 = tpu.vector_load %arg11[%swap3A_183, %swap3A_184] {strides = array<i32>} : memref<128x128xf32, #tpu.memory_space<vmem>>, vector<1x16xf32>,
      %swap3A_186 = vector.shape_cast %swap3A_185 : vector<1x16xf32> to vector<16xf32>
      %swap3A_187 = vector.shape_cast %get3A_182 : vector<16xf32> to vector<1x16xf32>
      tpu.vector_store %arg11[%swap3A_183, %swap3A_184], %swap3A_187 {add = true, strides = array<i32>} : memref<128x128xf32, #tpu.memory_space<vmem>>, vector<1x16xf32>,
      %get3A_188 = arith.index_cast %scan3A_144 : i32 to index
      %get3A_189 = arith.constant 80 : index
      %get3A_190 = tpu.vector_load %arg7[%get3A_188, %get3A_189] {strides = array<i32>} : memref<128x128xf32, #tpu.memory_space<vmem>>, vector<1x16xf32>,
      %get3A_191 = vector.shape_cast %get3A_190 : vector<1x16xf32> to vector<16xf32>
      %swap3A_192 = arith.index_cast %scan3A_144 : i32 to index
      %swap3A_193 = arith.constant 80 : index
      %swap3A_194 = tpu.vector_load %arg11[%swap3A_192, %swap3A_193] {strides = array<i32>} : memref<128x128xf32, #tpu.memory_space<vmem>>, vector<1x16xf32>,
      %swap3A_195 = vector.shape_cast %swap3A_194 : vector<1x16xf32> to vector<16xf32>
      %swap3A_196 = vector.shape_cast %get3A_191 : vector<16xf32> to vector<1x16xf32>
      tpu.vector_store %arg11[%swap3A_192, %swap3A_193], %swap3A_196 {add = true, strides = array<i32>} : memref<128x128xf32, #tpu.memory_space<vmem>>, vector<1x16xf32>,
      %get3A_197 = arith.index_cast %scan3A_144 : i32 to index
      %get3A_198 = arith.constant 96 : index
      %get3A_199 = tpu.vector_load %arg7[%get3A_197, %get3A_198] {strides = array<i32>} : memref<128x128xf32, #tpu.memory_space<vmem>>, vector<1x16xf32>,
      %get3A_200 = vector.shape_cast %get3A_199 : vector<1x16xf32> to vector<16xf32>
      %swap3A_201 = arith.index_cast %scan3A_144 : i32 to index
      %swap3A_202 = arith.constant 96 : index
      %swap3A_203 = tpu.vector_load %arg11[%swap3A_201, %swap3A_202] {strides = array<i32>} : memref<128x128xf32, #tpu.memory_space<vmem>>, vector<1x16xf32>,
      %swap3A_204 = vector.shape_cast %swap3A_203 : vector<1x16xf32> to vector<16xf32>
      %swap3A_205 = vector.shape_cast %get3A_200 : vector<16xf32> to vector<1x16xf32>
      tpu.vector_store %arg11[%swap3A_201, %swap3A_202], %swap3A_205 {add = true, strides = array<i32>} : memref<128x128xf32, #tpu.memory_space<vmem>>, vector<1x16xf32>,
      %get3A_206 = arith.index_cast %scan3A_144 : i32 to index
      %get3A_207 = arith.constant 112 : index
      %get3A_208 = tpu.vector_load %arg7[%get3A_206, %get3A_207] {strides = array<i32>} : memref<128x128xf32, #tpu.memory_space<vmem>>, vector<1x16xf32>,
      %get3A_209 = vector.shape_cast %get3A_208 : vector<1x16xf32> to vector<16xf32>
      %swap3A_210 = arith.index_cast %scan3A_144 : i32 to index
      %swap3A_211 = arith.constant 112 : index
      %swap3A_212 = tpu.vector_load %arg11[%swap3A_210, %swap3A_211] {strides = array<i32>} : memref<128x128xf32, #tpu.memory_space<vmem>>, vector<1x16xf32>,
      %swap3A_213 = vector.shape_cast %swap3A_212 : vector<1x16xf32> to vector<16xf32>
      %swap3A_214 = vector.shape_cast %get3A_209 : vector<16xf32> to vector<1x16xf32>
      tpu.vector_store %arg11[%swap3A_210, %swap3A_211], %swap3A_214 {add = true, strides = array<i32>} : memref<128x128xf32, #tpu.memory_space<vmem>>, vector<1x16xf32>,
    }
    %scan3A_108 = arith.constant 128 : i32
    %dma_start3A_109 = arith.constant 3 : i32
    %dma_start3A_110 = arith.constant 0 : i32
    %dma_start3A_111 = tpu.memref_slice %arg5[%dma_start3A_109, %mul3A_2, %dma_start3A_110] : memref<4x4096x128xf32, #tpu.memory_space<hbm>> -> memref<1x128x128xf32, #tpu.memory_space<hbm>>
    %dma_start3A_112 = tpu.memref_squeeze %dma_start3A_111 : memref<1x128x128xf32, #tpu.memory_space<hbm>> -> memref<128x128xf32, #tpu.memory_space<hbm>>
    %dma_start3A_113 = arith.constant 0 : i32
    %dma_start3A_114 = tpu.memref_slice %arg5[%dma_start3A_109, %mul3A_2, %dma_start3A_113] : memref<4x4096x128xf32, #tpu.memory_space<hbm>> -> memref<1x128x128xf32, #tpu.memory_space<hbm>>
    %dma_start3A_115 = tpu.memref_squeeze %dma_start3A_114 : memref<1x128x128xf32, #tpu.memory_space<hbm>> -> memref<128x128xf32, #tpu.memory_space<hbm>>
    tpu.enqueue_dma source(%arg11 : memref<128x128xf32, #tpu.memory_space<vmem>>) target(%dma_start3A_115 : memref<128x128xf32, #tpu.memory_space<hbm>>) target_semaphore(%arg14 : memref<!tpu.dma_semaphore, #tpu.memory_space<semaphore_mem>>)
    %dma_wait3A_116 = arith.constant 0 : i32
    %dma_wait3A_117 = arith.constant 0 : i32
    %dma_wait3A_118 = tpu.memref_slice %arg5[%dma_wait3A_116, %mul3A_2, %dma_wait3A_117] : memref<4x4096x128xf32, #tpu.memory_space<hbm>> -> memref<1x128x128xf32, #tpu.memory_space<hbm>>
    %dma_wait3A_119 = tpu.memref_squeeze %dma_wait3A_118 : memref<1x128x128xf32, #tpu.memory_space<hbm>> -> memref<128x128xf32, #tpu.memory_space<hbm>>
    %dma_wait3A_120 = arith.constant 0 : i32
    %dma_wait3A_121 = tpu.memref_slice %arg5[%dma_wait3A_116, %mul3A_2, %dma_wait3A_120] : memref<4x4096x128xf32, #tpu.memory_space<hbm>> -> memref<1x128x128xf32, #tpu.memory_space<hbm>>
    %dma_wait3A_122 = tpu.memref_squeeze %dma_wait3A_121 : memref<1x128x128xf32, #tpu.memory_space<hbm>> -> memref<128x128xf32, #tpu.memory_space<hbm>>
    tpu.wait_dma2 semaphore(%arg14 : memref<!tpu.dma_semaphore, #tpu.memory_space<semaphore_mem>>) src(%arg8 : memref<128x128xf32, #tpu.memory_space<vmem>>) dst(%dma_wait3A_122 : memref<128x128xf32, #tpu.memory_space<hbm>>)
    %dma_wait3A_123 = arith.constant 1 : i32
    %dma_wait3A_124 = arith.constant 0 : i32
    %dma_wait3A_125 = tpu.memref_slice %arg5[%dma_wait3A_123, %mul3A_2, %dma_wait3A_124] : memref<4x4096x128xf32, #tpu.memory_space<hbm>> -> memref<1x128x128xf32, #tpu.memory_space<hbm>>
    %dma_wait3A_126 = tpu.memref_squeeze %dma_wait3A_125 : memref<1x128x128xf32, #tpu.memory_space<hbm>> -> memref<128x128xf32, #tpu.memory_space<hbm>>
    %dma_wait3A_127 = arith.constant 0 : i32
    %dma_wait3A_128 = tpu.memref_slice %arg5[%dma_wait3A_123, %mul3A_2, %dma_wait3A_127] : memref<4x4096x128xf32, #tpu.memory_space<hbm>> -> memref<1x128x128xf32, #tpu.memory_space<hbm>>
    %dma_wait3A_129 = tpu.memref_squeeze %dma_wait3A_128 : memref<1x128x128xf32, #tpu.memory_space<hbm>> -> memref<128x128xf32, #tpu.memory_space<hbm>>
    tpu.wait_dma2 semaphore(%arg14 : memref<!tpu.dma_semaphore, #tpu.memory_space<semaphore_mem>>) src(%arg9 : memref<128x128xf32, #tpu.memory_space<vmem>>) dst(%dma_wait3A_129 : memref<128x128xf32, #tpu.memory_space<hbm>>)
    %dma_wait3A_130 = arith.constant 2 : i32
    %dma_wait3A_131 = arith.constant 0 : i32
    %dma_wait3A_132 = tpu.memref_slice %arg5[%dma_wait3A_130, %mul3A_2, %dma_wait3A_131] : memref<4x4096x128xf32, #tpu.memory_space<hbm>> -> memref<1x128x128xf32, #tpu.memory_space<hbm>>
    %dma_wait3A_133 = tpu.memref_squeeze %dma_wait3A_132 : memref<1x128x128xf32, #tpu.memory_space<hbm>> -> memref<128x128xf32, #tpu.memory_space<hbm>>
    %dma_wait3A_134 = arith.constant 0 : i32
    %dma_wait3A_135 = tpu.memref_slice %arg5[%dma_wait3A_130, %mul3A_2, %dma_wait3A_134] : memref<4x4096x128xf32, #tpu.memory_space<hbm>> -> memref<1x128x128xf32, #tpu.memory_space<hbm>>
    %dma_wait3A_136 = tpu.memref_squeeze %dma_wait3A_135 : memref<1x128x128xf32, #tpu.memory_space<hbm>> -> memref<128x128xf32, #tpu.memory_space<hbm>>
    tpu.wait_dma2 semaphore(%arg14 : memref<!tpu.dma_semaphore, #tpu.memory_space<semaphore_mem>>) src(%arg10 : memref<128x128xf32, #tpu.memory_space<vmem>>) dst(%dma_wait3A_136 : memref<128x128xf32, #tpu.memory_space<hbm>>)
    %dma_wait3A_137 = arith.constant 3 : i32
    %dma_wait3A_138 = arith.constant 0 : i32
    %dma_wait3A_139 = tpu.memref_slice %arg5[%dma_wait3A_137, %mul3A_2, %dma_wait3A_138] : memref<4x4096x128xf32, #tpu.memory_space<hbm>> -> memref<1x128x128xf32, #tpu.memory_space<hbm>>
    %dma_wait3A_140 = tpu.memref_squeeze %dma_wait3A_139 : memref<1x128x128xf32, #tpu.memory_space<hbm>> -> memref<128x128xf32, #tpu.memory_space<hbm>>
    %dma_wait3A_141 = arith.constant 0 : i32
    %dma_wait3A_142 = tpu.memref_slice %arg5[%dma_wait3A_137, %mul3A_2, %dma_wait3A_141] : memref<4x4096x128xf32, #tpu.memory_space<hbm>> -> memref<1x128x128xf32, #tpu.memory_space<hbm>>
    %dma_wait3A_143 = tpu.memref_squeeze %dma_wait3A_142 : memref<1x128x128xf32, #tpu.memory_space<hbm>> -> memref<128x128xf32, #tpu.memory_space<hbm>>
    tpu.wait_dma2 semaphore(%arg14 : memref<!tpu.dma_semaphore, #tpu.memory_space<semaphore_mem>>) src(%arg11 : memref<128x128xf32, #tpu.memory_space<vmem>>) dst(%dma_wait3A_143 : memref<128x128xf32, #tpu.memory_space<hbm>>)
    return
  }
}

</mosaic_0001>

<sc_bundles>
// kernel: kernel.3.cloned.1.call-start
scs
__scs_entry_jumppad:
0x0: {  	(pc) =	sbr.rel $0x88, $3  }
0x1: {  	(tag) =	ssettag $0x0;
	lr =	simm.s32 $0x1  }
0x2: {  	[smem:$0x3F9E] =	sst lr;
	_ =	strace $0xD0000000  }
0x3: {  	_ = 	snop  }
0x4: {  	_ = 	snop  }
0x5: {  	_ = 	snop  }
0x6: {  	_ = 	snop  }
0x7: {  	_ = 	snop  }
__scs_overlays_trampoline_lowered:
0x8: {  	[smem:$0x3FAD] =	sst s0  }
0x9: {  	[smem:$0x3FAE] =	sst s1  }
0xa: {  	[smem:$0x3FAF] =	sst s2  }
0xb: {  	[smem:$0x3FB0] =	sst s3  }
0xc: {  	[smem:$0x3FB1] =	sst s4  }
0xd: {  	[smem:$0x3FB2] =	sst s5  }
0xe: {  	[smem:$0x3FB3] =	sst s6  }
0xf: {  	[smem:$0x3FB4] =	sst s7  }
0x10: {  	[smem:$0x3FB5] =	sst s8  }
0x11: {  	[smem:$0x3FB6] =	sst s9;
	s0 =	simm.s32 @!p0 $0x0  }
0x12: {  	s1 =	sld [smem:$0x3F9C];
	s0 =	simm.s32 @p0 $0x1  }
0x13: {  	[smem:$0x3FB7] =	sst s0;
	s0 =	simm.s32 @!p1 $0x0  }
0x14: {  	s2 =	sld [smem:$0x3F9B];
	s0 =	simm.s32 @p1 $0x1  }
0x15: {  	[smem:$0x3FB8] =	sst s0;
	s0 =	simm.s32 @!p2 $0x0  }
0x16: {  	s3 =	sld [smem:$0x3FDB];
	s0 =	simm.s32 @p2 $0x1  }
0x17: {  	s4 =	simm.s32 $0x1BF5;
	[smem:$0x3FBA] =	sst s0  }
0x18: {  	s0 =	sld [smem:$0x3F9D];
	_ =	swait.ge [sflag:s4], $0x0  }
0x19: {  	s7 =	sld [smem:$0x3F9E]  }
0x1a: {  	s8 =	sadd.s32 $0xFFFFE003, lr  }
0x1b: {  	s9 =	sadd.s32 $0xFFFFFEF7, lr;
	s5 =	simm.s32 $0xFFFFFFFF;
	p2 =	slt.u32 s8, $0xFFFFF086  }
0x1c: {  	p1 =	slt.u32 s9, $0xF7A;
	s5 =	simm.s32 @!p2 $0x0  }
0x1d: {  	s5 =	simm.s32 @p1 $0x1;
	p0 =	seq.s32 s7, s2  }
0x1e: {  	s7 =	smul.u32 @!p0 $0xF7A, s2;
	p2 =	seq.s32 @!p0 s5, $0x0  }
0x1f: {  	s9 =	smul.u32 $0xF7A, s1;
	s8 =	simm.s32 @!p0 $0x1BF5;
	p2 =	por !p2, p0  }
0x20: {  	[sflag:s8] =	ssyncset.s32 @!p0 $0xFFFFF086;
	s6 =	sadd.s32 @!p0 s3, s7;
	s7 =	simm.s32 @!p0 $0x108  }
0x21: {  	s3 =	sadd.s32 s3, s9;
	s6 =	sadd.s32 @!p0 $0x88, s6;
	s7 =	simm.s32 @p2 $0x1082  }
0x22: {  	[simem:s7], [sflag:s8] =	dma.local @!p0 [hbm:s6], $0xF7A  }
0x23: {  	s9 =	sor.u32 $0xD0000000, s2;
	s6 =	simm.s32 $0x108;
	_ =	swait.ge @!p0 [sflag:s8], $0x0  }
0x24: {  	s3 =	sadd.s32 $0x88, s3;
	s6 =	simm.s32 @!p1 $0x1082;
	[sflag:s4] =	ssyncset.s32 $0xFFFFF086  }
0x25: {  	[simem:s6], [sflag:s4] =	dma.local [hbm:s3], $0xF7A  }
0x26: {  	[smem:$0x3F9E] =	sst s1;
	(tag) =	ssettag s2;
	_ =	strace s9  }
0x27: {  	s1 =	sld [smem:$0x3FAE]  }
0x28: {  	s2 =	sld [smem:$0x3FAF]  }
0x29: {  	s4 =	sld [smem:$0x3FB1]  }
0x2a: {  	p0 =	seq.s32 s5, $0x0;
	s5 =	sld [smem:$0x3FB2]  }
0x2b: {  	s6 =	sld [smem:$0x3FB3]  }
0x2c: {  	s7 =	sld [smem:$0x3FB4]  }
0x2d: {  	s3 =	simm.s32 $0x108;
	s8 =	sld [smem:$0x3FB5]  }
0x2e: {  	s3 =	simm.s32 @!p0 $0x1082;
	s9 =	sld [smem:$0x3FB6]  }
0x2f: {  	lr =	sadd.s32 s0, s3;
	s0 =	sld [smem:$0x3FAD]  }
0x30: {  	s3 =	sld [smem:$0x3FB0]  }
0x31: {  	[smem:$0x3FB9] =	sst s10  }
0x32: {  	s10 =	sld [smem:$0x3FB7];
	_ =	sdelay $0x3  }
0x33: {  	p0 =	seq.s32 s10, $0x1;
	s10 =	sld [smem:$0x3FB9];
	_ =	sdelay $0x3  }
0x34: {  	[smem:$0x3FB9] =	sst s10  }
0x35: {  	s10 =	sld [smem:$0x3FB8];
	_ =	sdelay $0x3  }
0x36: {  	p1 =	seq.s32 s10, $0x1;
	s10 =	sld [smem:$0x3FB9];
	_ =	sdelay $0x3  }
0x37: {  	[smem:$0x3FB9] =	sst s10  }
0x38: {  	s10 =	sld [smem:$0x3FBA]  }
0x39: {  	_ = 	snop;
	(pc) =	sbr.ind lr, $3  }
0x3a: {  	_ = 	snop  }
0x3b: {  	_ = 	snop  }
0x3c: {  	p2 =	seq.s32 s10, $0x1;
	s10 =	sld [smem:$0x3FB9]  }
0x3d: {  	_ =	shalt  }
0x3e: {  	_ =	shalt  }
0x3f: {  	_ =	shalt  }
0x40: {  	_ =	shalt  }
0x41: {  	_ =	shalt  }
0x42: {  	_ =	shalt  }
0x43: {  	_ =	shalt  }
0x44: {  	_ =	shalt  }
0x45: {  	_ =	shalt  }
0x46: {  	_ =	shalt  }
0x47: {  	_ =	shalt  }
0x48: {  	_ =	shalt  }
0x49: {  	_ =	shalt  }
0x4a: {  	_ =	shalt  }
0x4b: {  	_ =	shalt  }
0x4c: {  	_ =	shalt  }
0x4d: {  	_ =	shalt  }
0x4e: {  	_ =	shalt  }
0x4f: {  	_ =	shalt  }
0x50: {  	_ =	shalt  }
0x51: {  	_ =	shalt  }
0x52: {  	_ =	shalt  }
0x53: {  	_ =	shalt  }
0x54: {  	_ =	shalt  }
0x55: {  	_ =	shalt  }
0x56: {  	_ =	shalt  }
0x57: {  	_ =	shalt  }
0x58: {  	_ =	shalt  }
0x59: {  	_ =	shalt  }
0x5a: {  	_ =	shalt  }
0x5b: {  	_ =	shalt  }
0x5c: {  	_ =	shalt  }
0x5d: {  	_ =	shalt  }
0x5e: {  	_ =	shalt  }
0x5f: {  	_ =	shalt  }
0x60: {  	_ =	shalt  }
0x61: {  	_ =	shalt  }
0x62: {  	_ =	shalt  }
0x63: {  	_ =	shalt  }
0x64: {  	_ =	shalt  }
0x65: {  	_ =	shalt  }
0x66: {  	_ =	shalt  }
0x67: {  	_ =	shalt  }
0x68: {  	_ =	shalt  }
0x69: {  	_ =	shalt  }
0x6a: {  	_ =	shalt  }
0x6b: {  	_ =	shalt  }
0x6c: {  	_ =	shalt  }
0x6d: {  	_ =	shalt  }
0x6e: {  	_ =	shalt  }
0x6f: {  	_ =	shalt  }
0x70: {  	_ =	shalt  }
0x71: {  	_ =	shalt  }
0x72: {  	_ =	shalt  }
0x73: {  	_ =	shalt  }
0x74: {  	_ =	shalt  }
0x75: {  	_ =	shalt  }
0x76: {  	_ =	shalt  }
0x77: {  	_ =	shalt  }
0x78: {  	_ =	shalt  }
0x79: {  	_ =	shalt  }
0x7a: {  	_ =	shalt  }
0x7b: {  	_ =	shalt  }
0x7c: {  	_ =	shalt  }
0x7d: {  	_ =	shalt  }
0x7e: {  	_ =	shalt  }
0x7f: {  	_ =	shalt  }
0x80: {  	_ =	shalt  }
0x81: {  	_ =	shalt  }
0x82: {  	_ =	shalt  }
0x83: {  	_ =	shalt  }
0x84: {  	_ =	shalt  }
0x85: {  	_ =	shalt  }
0x86: {  	_ =	shalt  }
0x87: {  	_ =	shalt  }
.Lfunc_end0:
.L_simem_size_0:
called_computation_lowered:
.L_overlay_start_0:
0x88: {  	s2 =	sld [smem:$0x3FD9]  }
0x89: {  	s3 =	sld [smem:$0x3FFE];
	_ =	sdelay $0x1  }
0x8a: {  	s1 =	srdreg.scid  }
0x8b: {  	s0 =	sand.u32 $0x1, s1  }
0x8c: {  	s18 =	sshll.u32 s0, $0xA;
	s2 =	sadd.s32 s3, s2  }
0x8d: {  	s2 =	sadd.s32 s2, s18  }
0x8e: {  	[smem:$0x3FC5] =	sst s2  }
0x8f: {  	_ = 	snop  }
0x90: {  	s2 =	sld [smem:$0x3FC9]  }
0x91: {  	s19 =	sld [smem:$0x3FC8]  }
0x92: {  	s4 =	sld [smem:$0x3FC7]  }
0x93: {  	s5 =	sld [smem:$0x3FD0];
	(tm) =	ssettm $0x1  }
0x94: {  	s6 =	sld [smem:$0x3FFB];
	_ =	sdelay $0x3  }
0x95: {  	_ =	strace s6  }
0x96: {  	s6 =	sld [smem:$0x3FFC];
	_ =	sdelay $0x3  }
0x97: {  	_ =	strace s6  }
0x98: {  	s6 =	sld [smem:$0x3FFD];
	_ =	sdelay $0x3  }
0x99: {  	_ =	strace s6  }
0x9a: {  	_ =	strace $0x8FFFFFFF  }
0x9b: {  	s20 =	sld [smem:$0x3FDB];
	_ =	sdelay $0x1  }
0x9c: {  	s7 =	simm.s32 $_scs_section_size  }
0x9d: {  	s8 =	simm.s32 $_size__tile_overlayer_lowered;
	s9 =	simm.s32 $_tile_overlayer_lowered  }
0x9e: {  	s23 =	simm.s32 $0x1BFF;
	s22 =	sshll.u32 s9, $0x1;
	s6 =	sadd.s32 s7, s20  }
0x9f: {  	s10 =	simm.s32 $0x0;
	s21 =	sshll.u32 s8, $0x1;
	s8 =	sadd.s32 s22, s6  }
0xa0: {  	[timem:s10], [sflag:s23] =	dma.local [hbm:s8], s21  }
0xa1: {  	_ =	swait.ge [sflag:s23], s21  }
0xa2: {  	s7 =	ssub.s32 $0x0, s21;
	[sflag:s23] =	ssyncset.done $0x0  }
0xa3: {  	[sflag:s23] =	ssyncadd.s32 s7;
	_ =	sdelay $0x1  }
0xa4: {  	s24 =	simm.s32 $0x1B8B  }
0xa5: {  	_ =	swait.ge [sflag:s24], $0x1  }
0xa6: {  	[sflag:s24] =	ssyncset.done $0x0  }
0xa7: {  	s25 =	simm.s32 $0x1B8E;
	[sflag:s24] =	ssyncadd.s32 $0xFFFFFFFF  }
0xa8: {  	s26 =	simm.s32 $execute0_lowered;
	[smem:$0x3FD2] =	sst s25  }
0xa9: {  	s7 =	sshll.u32 s26, $0x1;
	_ =	strace $0x80000046;
	[dreg:$0x1] =	wrdreg $0xFFFFFFFF  }
0xaa: {  	s28 =	simm.s32 $_size_execute0_lowered;
	s6 =	sadd.s32 s6, s7;
	[dreg:$0x0] =	wrdreg $0x0  }
0xab: {  	s7 =	sshll.u32 s28, $0x1;
	[dreg:$0x2] =	wrdreg s6  }
0xac: {  	[dreg:$0x3] =	wrdreg s7  }
0xad: {  	[dreg:$0x4] =	wrdreg $0xC0  }
0xae: {  	_ =	task [dreg:s10], $0x5FFFF  }
0xaf: {  	[dreg:$0x1] =	wrdreg $0xFFFFFFFF  }
0xb0: {  	[dreg:$0x0] =	wrdreg $0x60  }
0xb1: {  	[dreg:$0x2] =	wrdreg s19  }
0xb2: {  	[dreg:$0x3] =	wrdreg s4  }
0xb3: {  	[dreg:$0x4] =	wrdreg s2  }
0xb4: {  	[dreg:$0x5] =	wrdreg s5  }
0xb5: {  	[dreg:$0x6] =	wrdreg $0x9  }
0xb6: {  	_ =	task.clear_ibuf [dreg:s10], $0x7FFFF;
	_ =	strace $0x90000046  }
0xb7: {  	s29 =	simm.s32 $0x9;
	_ =	strace $0x80000048  }
0xb8: {  	_ =	swait.ge [sflag:s29], $0x1  }
0xb9: {  	[sflag:s29] =	ssyncadd.s32 $0xFFFFFFFF  }
0xba: {  	_ =	strace $0x90000048  }
0xbb: {  	_ =	sfence  }
0xbc: {  	s30 =	sld [smem:$0x0];
	_ =	sdelay $0x2  }
0xbd: {  	s31 =	sshll.u32 s1, $0xD;
	s1 =	sshrl.u32 s1, $0x2  }
0xbe: {  	s3 =	sand.u32 $0x4000, s31;
	s1 =	sadd.s32 s1, s30  }
0xbf: {  	s0 =	sor.u32 s3, s0;
	s1 =	sshll.u32 s1, $0x11  }
0xc0: {  	s0 =	sor.u32 s1, s0  }
0xc1: {  	s0 =	sadd.s32 $0x8F2B, s0  }
0xc2: {  	[sflag:s0] =	ssyncadd.remote.s32 $0x1  }
0xc3: {  	_ =	sfence.sel $0xFFFF  }
0xc4: {  	[dreg:$0x0] =	wrdreg $0xFFFFFFFF;
	(pc) =	sbr.abs _section_cstart, $3  }
0xc5: {  	[dreg:$0x1] =	wrdreg $0xFFFFFFFF  }
0xc6: {  	_ =	task.clear_ibuf [dreg:s10], $0x2FFFF;
	_ =	strace $0x9FFFFFFF  }
0xc7: {  	(tm) =	ssettm $0x7FFFFFFF  }
tec
execute0_lowered:
.L_overlay_start_1:
0x0: {  	(tag) =	ssettag $0x1  }
0x1: {  	s1 =	rddreg [dreg:$0x0]  }
0x2: {  	s4 =	rddreg [dreg:$0x1]  }
0x3: {  	s6 =	rddreg [dreg:$0x2]  }
0x4: {  	s5 =	rddreg [dreg:$0x3]  }
0x5: {  	s0 =	rddreg [dreg:$0x4];
	s7 =	srdreg.scid  }
0x6: {  	s3 =	simm.s32 $0x0;
	s2 =	stileid.u32;
	s11 =	simm.s32 $0x200  }
0x7: {  	s12 =	simm.s32 $0x4;
	s13 =	simm.s32 $0x80;
	s14 =	simm.s32 $0x4200  }
0x8: {  	s15 =	simm.s32 $0x8200;
	s16 =	simm.s32 $0x100;
	s17 =	simm.s32 $0xC200  }
0x9: {  	s18 =	simm.s32 $0x180;
	s19 =	simm.s32 $0x10200;
	s20 =	simm.s32 $0x1  }
0xa: {  	s21 =	simm.s32 $0x2;
	s22 =	simm.s32 $0x3;
	s7 =	sand.u32 $0x1, s7  }
0xb: {  	s9 =	sshll.u32 s2, $0x8;
	s8 =	ssub.s32 $0x2, s7;
	s7 =	sshll.u32 s7, $0x7  }
0xc: {  	s23 =	simm.s32 $0x0;
	[smem:$0x7FF] =	sst s3;
	s7 =	sor.u32 s7, s9  }
0xd: {  	_ =	strace $0x80000047;
	s10 =	sshrl.u32 s8, $0x1;
	s31 =	sshll.u32 s7, $0x4  }
0xe: {  	s10 =	ssub.s32 s8, s10;
	s7 =	sshrl.u32 s7, $0x1;
	s4 =	sadd.s32 s4, s31  }
0xf: {  	s5 =	sadd.s32 s5, s31;
	s6 =	sadd.s32 s6, s7;
	s10 =	smax.u32 s10, $0x1  }
0x10: {  	s7 =	sadd.s32 $0x10000, s5;
	s8 =	sadd.s32 $0x20000, s5;
	s9 =	sadd.s32 $0x30000, s5  }
.LBB2_1:
0x11: {  	[tilespmem:s11], [sflag:$0x1] =	stream.linear.gather [hbm4b:s4+s3], $0x4000, $0x38;
	[tilespmem:$0x14200] =	vst v63  }
0x12: {  	_ = 	snop  }
0x13: {  	[tilespmem:s3], [sflag:$0x4] =	stream.linear.gather [hbm4b:s6+s3], $0x200, $0x38;
	[tilespmem:$0x14200] =	vst v63  }
0x14: {  	_ =	swait.ge [sflag:s12], $0x200  }
0x15: {  	[sflag:s12] =	ssyncset.done $0x0  }
0x16: {  	[sflag:s12] =	ssyncadd.s32 $0xFFFFFE00  }
0x17: {  	[tilespmem:s14], [sflag:$0x2] =	stream.indirect.gather [hbm4b:s1+s13], $0x80, s3, s13, $0xb8;
	[tilespmem:$0x14200] =	vst v63  }
0x18: {  	_ = 	snop  }
0x19: {  	[tilespmem:s15], [sflag:$0x2] =	stream.indirect.gather [hbm4b:s1+s13], $0x80, s13, s13, $0xb8;
	[tilespmem:$0x14200] =	vst v63  }
0x1a: {  	_ = 	snop  }
0x1b: {  	[tilespmem:s17], [sflag:$0x2] =	stream.indirect.gather [hbm4b:s1+s13], $0x80, s16, s13, $0xb8;
	[tilespmem:$0x14200] =	vst v63  }
0x1c: {  	_ = 	snop  }
0x1d: {  	[tilespmem:s19], [sflag:$0x2] =	stream.indirect.gather [hbm4b:s1+s13], $0x80, s18, s13, $0xb8;
	[tilespmem:$0x14200] =	vst v63  }
0x1e: {  	_ =	swait.ge [sflag:s20], $0x4000  }
0x1f: {  	[sflag:s20] =	ssyncset.done $0x0  }
0x20: {  	[sflag:s20] =	ssyncadd.s32 $0xFFFFC000  }
0x21: {  	_ =	swait.ge [sflag:s21], $0x4000  }
0x22: {  	[sflag:s21] =	ssyncset.done $0x0  }
0x23: {  	s24 =	simm.s32 $0x0;
	s25 =	simm.s32 $0x200;
	[sflag:s21] =	ssyncadd.s32 $0xFFFFC000  }
.LBB2_2:
0x24: {  	p0 =	sne.s32 s25, $0xFE00;
	v0 =	vld [tilespmem:s24+$0x270]  }
0x25: {  	v1 =	vld [tilespmem:s24+$0x200]  }
0x26: {  	v2 =	vld [tilespmem:s24+$0x210]  }
0x27: {  	v3 =	vld [tilespmem:s24+$0x220]  }
0x28: {  	v4 =	vld [tilespmem:s24+$0x230]  }
0x29: {  	[tilespmem:s24+$0x4270] =	vst.add.f32.msk $0xffff, v0  }
0x2a: {  	v0 =	vld [tilespmem:s24+$0x240]  }
0x2b: {  	v5 =	vld [tilespmem:s24+$0x250]  }
0x2c: {  	v6 =	vld [tilespmem:s24+$0x260]  }
0x2d: {  	[tilespmem:s24+$0x4200] =	vst.add.f32.msk $0xffff, v1  }
0x2e: {  	[tilespmem:s24+$0x4210] =	vst.add.f32.msk $0xffff, v2  }
.Ltmp0:
0x2f: {  	[tilespmem:s24+$0x4220] =	vst.add.f32.msk $0xffff, v3;
	(pc) =	sbr.rel @p0 .LBB2_2-.Ltmp0, $4  }
0x30: {  	[tilespmem:s24+$0x4230] =	vst.add.f32.msk $0xffff, v4  }
0x31: {  	[tilespmem:s24+$0x4240] =	vst.add.f32.msk $0xffff, v0  }
0x32: {  	[tilespmem:s24+$0x4250] =	vst.add.f32.msk $0xffff, v5  }
0x33: {  	[tilespmem:s24+$0x4260] =	vst.add.f32.msk $0xffff, v6;
	s24 =	sshra.s32 s25, $0x2;
	s25 =	sadd.s32 $0x200, s25  }
0x34: {  	v0 =	vld [tilespmem:s24+$0x270]  }
0x35: {  	v1 =	vld [tilespmem:s24+$0x200]  }
0x36: {  	v2 =	vld [tilespmem:s24+$0x210]  }
0x37: {  	v3 =	vld [tilespmem:s24+$0x220]  }
0x38: {  	v4 =	vld [tilespmem:s24+$0x230]  }
0x39: {  	v63 =	vld [tilespmem:s24+$0x240]  }
0x3a: {  	v5 =	vld [tilespmem:s24+$0x250]  }
0x3b: {  	v6 =	vld [tilespmem:s24+$0x260]  }
0x3c: {  	[tilespmem:s24+$0x4270] =	vst.add.f32.msk $0xffff, v0  }
0x3d: {  	[tilespmem:s24+$0x4200] =	vst.add.f32.msk $0xffff, v1  }
0x3e: {  	[tilespmem:s24+$0x4210] =	vst.add.f32.msk $0xffff, v2  }
0x3f: {  	[tilespmem:s24+$0x4220] =	vst.add.f32.msk $0xffff, v3  }
0x40: {  	[tilespmem:s24+$0x4230] =	vst.add.f32.msk $0xffff, v4  }
0x41: {  	[tilespmem:s24+$0x4240] =	vst.add.f32.msk $0xffff, v63  }
0x42: {  	[tilespmem:s24+$0x4250] =	vst.add.f32.msk $0xffff, v5  }
0x43: {  	s31 =	simm.s32 $0x0;
	[tilespmem:s24+$0x4260] =	vst.add.f32.msk $0xffff, v6  }
0x44: {  	[hbm4b:s5+s31] =	stream.linear.scatter [tilespmem:s14], [sflag:$0x3], $0x4000, $0x38;
	[tilespmem:$0x14200] =	vst v63  }
0x45: {  	_ =	swait.ge [sflag:s21], $0x4000  }
0x46: {  	[sflag:s21] =	ssyncset.done $0x0  }
0x47: {  	s25 =	simm.s32 $0x200;
	s24 =	simm.s32 $0x0;
	[sflag:s21] =	ssyncadd.s32 $0xFFFFC000  }
.LBB2_4:
0x48: {  	p0 =	sne.s32 s25, $0xFE00;
	v0 =	vld [tilespmem:s24+$0x270]  }
0x49: {  	v1 =	vld [tilespmem:s24+$0x200]  }
0x4a: {  	v2 =	vld [tilespmem:s24+$0x210]  }
0x4b: {  	v3 =	vld [tilespmem:s24+$0x220]  }
0x4c: {  	v4 =	vld [tilespmem:s24+$0x230]  }
0x4d: {  	[tilespmem:s24+$0x8270] =	vst.add.f32.msk $0xffff, v0  }
0x4e: {  	v0 =	vld [tilespmem:s24+$0x240]  }
0x4f: {  	v5 =	vld [tilespmem:s24+$0x250]  }
0x50: {  	v6 =	vld [tilespmem:s24+$0x260]  }
0x51: {  	[tilespmem:s24+$0x8200] =	vst.add.f32.msk $0xffff, v1  }
0x52: {  	[tilespmem:s24+$0x8210] =	vst.add.f32.msk $0xffff, v2  }
.Ltmp1:
0x53: {  	[tilespmem:s24+$0x8220] =	vst.add.f32.msk $0xffff, v3;
	(pc) =	sbr.rel @p0 .LBB2_4-.Ltmp1, $4  }
0x54: {  	[tilespmem:s24+$0x8230] =	vst.add.f32.msk $0xffff, v4  }
0x55: {  	[tilespmem:s24+$0x8240] =	vst.add.f32.msk $0xffff, v0  }
0x56: {  	[tilespmem:s24+$0x8250] =	vst.add.f32.msk $0xffff, v5  }
0x57: {  	[tilespmem:s24+$0x8260] =	vst.add.f32.msk $0xffff, v6;
	s24 =	sshra.s32 s25, $0x2;
	s25 =	sadd.s32 $0x200, s25  }
0x58: {  	v0 =	vld [tilespmem:s24+$0x270]  }
0x59: {  	v1 =	vld [tilespmem:s24+$0x200]  }
0x5a: {  	v2 =	vld [tilespmem:s24+$0x210]  }
0x5b: {  	v3 =	vld [tilespmem:s24+$0x220]  }
0x5c: {  	v4 =	vld [tilespmem:s24+$0x230]  }
0x5d: {  	v63 =	vld [tilespmem:s24+$0x240]  }
0x5e: {  	v5 =	vld [tilespmem:s24+$0x250]  }
0x5f: {  	v6 =	vld [tilespmem:s24+$0x260]  }
0x60: {  	[tilespmem:s24+$0x8270] =	vst.add.f32.msk $0xffff, v0  }
0x61: {  	[tilespmem:s24+$0x8200] =	vst.add.f32.msk $0xffff, v1  }
0x62: {  	[tilespmem:s24+$0x8210] =	vst.add.f32.msk $0xffff, v2  }
0x63: {  	[tilespmem:s24+$0x8220] =	vst.add.f32.msk $0xffff, v3  }
0x64: {  	[tilespmem:s24+$0x8230] =	vst.add.f32.msk $0xffff, v4  }
0x65: {  	[tilespmem:s24+$0x8240] =	vst.add.f32.msk $0xffff, v63  }
0x66: {  	[tilespmem:s24+$0x8250] =	vst.add.f32.msk $0xffff, v5  }
0x67: {  	s31 =	simm.s32 $0x0;
	[tilespmem:s24+$0x8260] =	vst.add.f32.msk $0xffff, v6  }
0x68: {  	[hbm4b:s7+s31] =	stream.linear.scatter [tilespmem:s15], [sflag:$0x3], $0x4000, $0x38;
	[tilespmem:$0x14200] =	vst v63  }
0x69: {  	_ =	swait.ge [sflag:s21], $0x4000  }
0x6a: {  	[sflag:s21] =	ssyncset.done $0x0  }
0x6b: {  	s25 =	simm.s32 $0x200;
	s24 =	simm.s32 $0x0;
	[sflag:s21] =	ssyncadd.s32 $0xFFFFC000  }
.LBB2_6:
0x6c: {  	p0 =	sne.s32 s25, $0xFE00;
	v0 =	vld [tilespmem:s24+$0x270]  }
0x6d: {  	v1 =	vld [tilespmem:s24+$0x200]  }
0x6e: {  	v2 =	vld [tilespmem:s24+$0x210]  }
0x6f: {  	v3 =	vld [tilespmem:s24+$0x220]  }
0x70: {  	v4 =	vld [tilespmem:s24+$0x230]  }
0x71: {  	[tilespmem:s24+$0xC270] =	vst.add.f32.msk $0xffff, v0  }
0x72: {  	v0 =	vld [tilespmem:s24+$0x240]  }
0x73: {  	v5 =	vld [tilespmem:s24+$0x250]  }
0x74: {  	v6 =	vld [tilespmem:s24+$0x260]  }
0x75: {  	[tilespmem:s24+$0xC200] =	vst.add.f32.msk $0xffff, v1  }
0x76: {  	[tilespmem:s24+$0xC210] =	vst.add.f32.msk $0xffff, v2  }
.Ltmp2:
0x77: {  	[tilespmem:s24+$0xC220] =	vst.add.f32.msk $0xffff, v3;
	(pc) =	sbr.rel @p0 .LBB2_6-.Ltmp2, $4  }
0x78: {  	[tilespmem:s24+$0xC230] =	vst.add.f32.msk $0xffff, v4  }
0x79: {  	[tilespmem:s24+$0xC240] =	vst.add.f32.msk $0xffff, v0  }
0x7a: {  	[tilespmem:s24+$0xC250] =	vst.add.f32.msk $0xffff, v5  }
0x7b: {  	[tilespmem:s24+$0xC260] =	vst.add.f32.msk $0xffff, v6;
	s24 =	sshra.s32 s25, $0x2;
	s25 =	sadd.s32 $0x200, s25  }
0x7c: {  	v0 =	vld [tilespmem:s24+$0x270]  }
0x7d: {  	v1 =	vld [tilespmem:s24+$0x200]  }
0x7e: {  	v2 =	vld [tilespmem:s24+$0x210]  }
0x7f: {  	v3 =	vld [tilespmem:s24+$0x220]  }
0x80: {  	v4 =	vld [tilespmem:s24+$0x230]  }
0x81: {  	v63 =	vld [tilespmem:s24+$0x240]  }
0x82: {  	v5 =	vld [tilespmem:s24+$0x250]  }
0x83: {  	v6 =	vld [tilespmem:s24+$0x260]  }
0x84: {  	[tilespmem:s24+$0xC270] =	vst.add.f32.msk $0xffff, v0  }
0x85: {  	[tilespmem:s24+$0xC200] =	vst.add.f32.msk $0xffff, v1  }
0x86: {  	[tilespmem:s24+$0xC210] =	vst.add.f32.msk $0xffff, v2  }
0x87: {  	[tilespmem:s24+$0xC220] =	vst.add.f32.msk $0xffff, v3  }
0x88: {  	[tilespmem:s24+$0xC230] =	vst.add.f32.msk $0xffff, v4  }
0x89: {  	[tilespmem:s24+$0xC240] =	vst.add.f32.msk $0xffff, v63  }
0x8a: {  	[tilespmem:s24+$0xC250] =	vst.add.f32.msk $0xffff, v5  }
0x8b: {  	s31 =	simm.s32 $0x0;
	[tilespmem:s24+$0xC260] =	vst.add.f32.msk $0xffff, v6  }
0x8c: {  	[hbm4b:s8+s31] =	stream.linear.scatter [tilespmem:s17], [sflag:$0x3], $0x4000, $0x38;
	[tilespmem:$0x14200] =	vst v63  }
0x8d: {  	_ =	swait.ge [sflag:s21], $0x4000  }
0x8e: {  	[sflag:s21] =	ssyncset.done $0x0  }
0x8f: {  	s25 =	simm.s32 $0x200;
	s24 =	simm.s32 $0x0;
	[sflag:s21] =	ssyncadd.s32 $0xFFFFC000  }
.LBB2_8:
0x90: {  	p0 =	sne.s32 s25, $0xFE00;
	v0 =	vld [tilespmem:s24+$0x270]  }
0x91: {  	v1 =	vld [tilespmem:s24+$0x200]  }
0x92: {  	v2 =	vld [tilespmem:s24+$0x210]  }
0x93: {  	v3 =	vld [tilespmem:s24+$0x220]  }
0x94: {  	v4 =	vld [tilespmem:s24+$0x230]  }
0x95: {  	[tilespmem:s24+$0x10270] =	vst.add.f32.msk $0xffff, v0  }
0x96: {  	v0 =	vld [tilespmem:s24+$0x240]  }
0x97: {  	v5 =	vld [tilespmem:s24+$0x250]  }
0x98: {  	v6 =	vld [tilespmem:s24+$0x260]  }
0x99: {  	[tilespmem:s24+$0x10200] =	vst.add.f32.msk $0xffff, v1  }
0x9a: {  	[tilespmem:s24+$0x10210] =	vst.add.f32.msk $0xffff, v2  }
.Ltmp3:
0x9b: {  	[tilespmem:s24+$0x10220] =	vst.add.f32.msk $0xffff, v3;
	(pc) =	sbr.rel @p0 .LBB2_8-.Ltmp3, $4  }
0x9c: {  	[tilespmem:s24+$0x10230] =	vst.add.f32.msk $0xffff, v4  }
0x9d: {  	[tilespmem:s24+$0x10240] =	vst.add.f32.msk $0xffff, v0  }
0x9e: {  	[tilespmem:s24+$0x10250] =	vst.add.f32.msk $0xffff, v5  }
0x9f: {  	[tilespmem:s24+$0x10260] =	vst.add.f32.msk $0xffff, v6;
	s24 =	sshra.s32 s25, $0x2;
	s25 =	sadd.s32 $0x200, s25  }
0xa0: {  	v0 =	vld [tilespmem:s24+$0x270]  }
0xa1: {  	v1 =	vld [tilespmem:s24+$0x200]  }
0xa2: {  	v2 =	vld [tilespmem:s24+$0x210]  }
0xa3: {  	v3 =	vld [tilespmem:s24+$0x220]  }
0xa4: {  	v4 =	vld [tilespmem:s24+$0x230]  }
0xa5: {  	v63 =	vld [tilespmem:s24+$0x240]  }
0xa6: {  	v5 =	vld [tilespmem:s24+$0x250]  }
0xa7: {  	v6 =	vld [tilespmem:s24+$0x260]  }
0xa8: {  	[tilespmem:s24+$0x10270] =	vst.add.f32.msk $0xffff, v0  }
0xa9: {  	[tilespmem:s24+$0x10200] =	vst.add.f32.msk $0xffff, v1  }
0xaa: {  	[tilespmem:s24+$0x10210] =	vst.add.f32.msk $0xffff, v2  }
0xab: {  	[tilespmem:s24+$0x10220] =	vst.add.f32.msk $0xffff, v3  }
0xac: {  	[tilespmem:s24+$0x10230] =	vst.add.f32.msk $0xffff, v4  }
0xad: {  	[tilespmem:s24+$0x10240] =	vst.add.f32.msk $0xffff, v63  }
0xae: {  	[tilespmem:s24+$0x10250] =	vst.add.f32.msk $0xffff, v5  }
0xaf: {  	[tilespmem:s24+$0x10260] =	vst.add.f32.msk $0xffff, v6  }
0xb0: {  	[hbm4b:s9+s3] =	stream.linear.scatter [tilespmem:s19], [sflag:$0x3], $0x4000, $0x38;
	[tilespmem:$0x14200] =	vst v63  }
0xb1: {  	_ =	swait.ge [sflag:s22], $0x4000  }
0xb2: {  	[sflag:s22] =	ssyncset.done $0x0  }
0xb3: {  	[sflag:s22] =	ssyncadd.s32 $0xFFFFC000  }
0xb4: {  	_ =	swait.ge [sflag:s22], $0x4000  }
0xb5: {  	[sflag:s22] =	ssyncset.done $0x0  }
0xb6: {  	s23 =	sadd.s32 $0x1, s23;
	[sflag:s22] =	ssyncadd.s32 $0xFFFFC000  }
0xb7: {  	p0 =	sne.s32 s23, s10;
	_ =	swait.ge [sflag:s22], $0x4000  }
.Ltmp4:
0xb8: {  	[sflag:s22] =	ssyncset.done $0x0;
	(pc) =	sbr.rel @p0 .LBB2_1-.Ltmp4, $4  }
0xb9: {  	[sflag:s22] =	ssyncadd.s32 $0xFFFFC000  }
0xba: {  	_ =	swait.ge [sflag:s22], $0x4000  }
0xbb: {  	[sflag:s22] =	ssyncset.done $0x0  }
0xbc: {  	[sflag:s22] =	ssyncadd.s32 $0xFFFFC000  }
0xbd: {  	_ =	sfence.sel $0x180000  }
0xbe: {  	[bflag:$0x0] =	sbarrier.arrive $0xFFFF  }
0xbf: {  	p0 =	sne.s32 s2, $0x0;
	_ =	strace $0x90000047  }
0xc0: {  	s0 =	sadd.s32 @!p0 $0x100000, s0;
	[bflag:$0x2] =	sbarrier.arrive $0xFFFF  }
0xc1: {  	[sflag:s0] =	ssyncadd.tile.s32 @!p0 $0x1;
	_ =	shalt  }
.Lfunc_end2:
_tile_overlayer_lowered:
.L_overlay_start_2:
0xc2: {  	(tag) =	ssettag $0x2  }
0xc3: {  	s0 =	rddreg [dreg:$0x0];
	s2 =	stileid.u32  }
0xc4: {  	s1 =	rddreg [dreg:$0x1];
	p0 =	sne.s32 s2, $0x0  }
0xc5: {  	s3 =	rddreg [dreg:$0x2];
	[bflag:$0x3] =	sbarrier.arrive $0xFFFF;
	s2 =	simm.s32 @!p0 $0x1C04  }
0xc6: {  	[timem:s3], [sflag:s2] =	dma.local @!p0 [hbm:s0], s1  }
0xc7: {  	s0 =	simm.s32 @!p0 $0x4  }
0xc8: {  	_ =	swait.ge @!p0 [sflag:s0], s1  }
0xc9: {  	s1 =	ssub.s32 @!p0 $0x0, s1;
	[sflag:s0] =	ssyncset.done @!p0 $0x0  }
0xca: {  	[sflag:s0] =	ssyncadd.s32 @!p0 s1  }
0xcb: {  	[bflag:$0x3] =	sbarrier.arrive $0xFFFF  }
0xcc: {  	_ =	shalt  }

</sc_bundles>
